<compile_context>
chip_gen: v7x
topology: tpu7x:2x2x1
jax: 0.10.2.dev20260603
libtpu: 0.0.44.dev20260713+nightly
codegen_flags: <defaults>
</compile_context>

<pallas_src>
import functools

import jax
import jax.numpy as jnp
from jax import lax
from jax.experimental import pallas as pl
from jax.experimental.pallas import tpu as pltpu
from jax.experimental.pallas import tpu_sc as plsc

_N = 2048
_C = 8
_LANES = 128
_TILES = _N // _LANES
_SC_ROWS = 128
_TC_BLOCK = 128



def _tc_body(a_ref, m_ref, o_ref, t_ref):
    a = a_ref[...]
    m = m_ref[...]
    x = m * a
    p = x == 0.0
    th1 = jnp.tanh(0.5 * x)
    w = 0.5 * a
    ma = w * th1 + w
    th2 = jnp.tanh(0.5 * ma)
    v = jnp.where(p, jnp.float32(0.0), 0.03125 * th2 + jnp.float32(1.03125))
    t_ref[...] = jnp.sum(v, axis=1)
    t = t_ref[...]
    den = jnp.floor(t)
    num = (t - den) * jnp.float32(16.0)
    o_ref[...] = jnp.where(den > 0.0, num / den, jnp.float32(0.0))


def _tc_part(at, mt, rows):
    return pl.pallas_call(
        _tc_body,
        grid=(rows // _TC_BLOCK,),
        in_specs=[
            pl.BlockSpec((_TC_BLOCK, _C, _N), lambda i: (i, 0, 0)),
            pl.BlockSpec((_TC_BLOCK, _C, _N), lambda i: (i, 0, 0)),
        ],
        out_specs=pl.BlockSpec((_TC_BLOCK, _N), lambda i: (i, 0)),
        out_shape=jax.ShapeDtypeStruct((rows, _N), jnp.float32),
        scratch_shapes=[pltpu.VMEM((_TC_BLOCK, _N), jnp.float32)],
    )(at, mt)



def _sc_kernel_body(a_hbm, m_hbm, out_hbm, a_v, m_v, o_v):
    info = plsc.get_sparse_core_info()
    nc = info.num_cores
    rows_per = _SC_ROWS // (nc * info.num_subcores)
    wid = lax.axis_index("s") * nc + lax.axis_index("c")
    base = wid * rows_per

    row0 = _N - _SC_ROWS

    def row_body(i, _):
        r = base + i
        pltpu.sync_copy(a_hbm.at[row0 + r], a_v)
        pltpu.sync_copy(m_hbm.at[row0 + r], m_v)

        def tile_body(t, _):
            def group_body(g, _):
                numden = jnp.zeros((16,), jnp.float32)
                for c in range(_C):
                    a = a_v[t, c, pl.ds(g * 16, 16)]
                    m = m_v[t, c, pl.ds(g * 16, 16)]
                    x = a * m
                    p = x == 0.0
                    s1 = 1.0 / (1.0 + jnp.exp(-x))
                    ma = a * s1
                    s2 = 1.0 / (1.0 + jnp.exp(-ma))
                    v = 0.0625 * s2 + jnp.float32(1.0)
                    numden = numden + jnp.where(p, jnp.float32(0.0), v)
                den = numden.astype(jnp.int32).astype(jnp.float32)
                num = (numden - den) * jnp.float32(16.0)
                o_v[pl.ds(t * _LANES + g * 16, 16)] = jnp.where(
                    den > 0.0, num / den, jnp.float32(0.0))
                return 0

            lax.fori_loop(0, _LANES // 16, group_body, 0)
            return 0

        lax.fori_loop(0, _TILES, tile_body, 0)
        pltpu.sync_copy(o_v, out_hbm.at[r])
        return 0

    lax.fori_loop(0, rows_per, row_body, 0)


def _sc_part(a4, m4):
    mesh = plsc.VectorSubcoreMesh(core_axis_name="c", subcore_axis_name="s")
    k = functools.partial(
        pl.kernel,
        mesh=mesh,
        out_type=jax.ShapeDtypeStruct((_SC_ROWS, _N), jnp.float32),
        scratch_types=[
            pltpu.VMEM((_TILES, _C, _LANES), jnp.float32),
            pltpu.VMEM((_TILES, _C, _LANES), jnp.float32),
            pltpu.VMEM((_N,), jnp.float32),
        ],
    )(_sc_kernel_body)
    return k(a4, m4)



@jax.jit
def _run(adj, mask):
    n, _, c = adj.shape
    tc_rows = n - _SC_ROWS
    at = jnp.transpose(adj, (0, 2, 1))
    mt = jnp.transpose(mask, (0, 2, 1))
    a4 = jnp.transpose(adj.reshape(n, _TILES, _LANES, c), (0, 1, 3, 2))
    m4 = jnp.transpose(mask.reshape(n, _TILES, _LANES, c), (0, 1, 3, 2))

    parts = []
    if tc_rows:
        parts.append(_tc_part(at, mt, tc_rows))
    if _SC_ROWS:
        parts.append(_sc_part(a4, m4))
    if len(parts) == 1:
        return parts[0]
    return jnp.concatenate(parts, axis=0)


def kernel(adj, mask):
    return _run(adj, mask)

# --- scband reference (transcript-rebuilt; emitter-appended) ---
"""Pipeline reference for scband-gnnexplainer-39745627357796 (READ-ONLY COPY).

The authoritative reference and input builder live on the scoring server;
editing this copy changes nothing except your own understanding.
"""

import jax, jax.numpy as jnp
import numpy as np

N = 2048
C = 8

def setup_inputs(seed: int = 0) -> dict:
    key = jax.random.key(seed)
    k1, k2, k3 = jax.random.split(key, 3)
    # adj: dense multi-channel adjacency tensor, uniform [0,1) as in harness fill='rand'
    adj = jax.random.uniform(k1, (N, N, C), dtype=jnp.float32)
    # mask: construct_edge_mask draws uniform, takes its std (~0.2887), then re-inits
    # mask.normal_(1.0, std). Reproduce that: normal(mean=1.0, std=0.2887).
    r = jax.random.uniform(k2, (N, N, C), dtype=jnp.float32)
    _std = jnp.std(r)
    mask = 1.0 + _std * jax.random.normal(k3, (N, N, C), dtype=jnp.float32)
    return {"adj": adj, "mask": mask}

def reference(adj, mask):
    # construct_edge_mask tail: mask = mask * adj; zero entries overwritten with -100000
    # (torch does this via nonzero()+fancy-index scatter; jnp.where is the faithful
    # functional equivalent of that scatter-overwrite)
    m = mask * adj
    m = jnp.where(m == 0.0, jnp.float32(-100000.0), m)
    # _masked_adj with mask_act == 'sigmoid'
    sym_mask = jax.nn.sigmoid(m)
    masked_adj = adj * sym_mask
    # run_explain tail: scatter -100000 into zero entries, sigmoid, channel-average
    # over positive entries, nan -> 0
    ma = jnp.where(masked_adj == 0.0, jnp.float32(-100000.0), masked_adj)
    s = jax.nn.sigmoid(ma)
    num = jnp.sum(s, axis=2)
    den = jnp.sum((masked_adj > 0.0).astype(jnp.float32), axis=2)
    out = num / den
    out = jnp.where(jnp.isnan(out), jnp.zeros_like(out), out)
    return out

if __name__ == "__main__":
    import jax
    _d = setup_inputs()
    print(jax.jit(kernel)(*tuple(_d.values())))

</pallas_src>

<mosaic_0001>
#map = affine_map<(d0, d1) -> (0, 0, 0, 0)>
#map1 = affine_map<(d0, d1) -> (0, 0)>
module attributes {stable_mosaic.version = 14 : i64} {
  func.func @_sc_kernel_body(%arg0: i32, %arg1: i32, %arg2: memref<2048x16x8x128xf32, #tpu.memory_space<hbm>>, %arg3: memref<2048x16x8x128xf32, #tpu.memory_space<hbm>>, %arg4: memref<128x2048xf32, #tpu.memory_space<hbm>>, %arg5: memref<16x8x128xf32, #tpu.memory_space<vmem>>, %arg6: memref<16x8x128xf32, #tpu.memory_space<vmem>>, %arg7: memref<2048xf32, #tpu.memory_space<vmem>>) attributes {dimension_semantics = [#tpu.dimension_semantics<core_parallel>, #tpu.dimension_semantics<subcore_parallel>], iteration_bounds = array<i64: 2, 16>, scalar_prefetch = 0 : i64, scratch_operands = 3 : i64, tpu.core_type = #tpu.core_type<sc_vector_subcore>, window_params = [{transform_indices = #map}, {transform_indices = #map}, {transform_indices = #map1}]} {
    %mul3A = arith.constant 2 : i32
    %mul3A_0 = arith.muli %arg1, %mul3A : i32
    %add3A = arith.addi %mul3A_0, %arg0 : i32
    %mul3A_1 = arith.constant 4 : i32
    %mul3A_2 = arith.muli %add3A, %mul3A_1 : i32
    %scan3A = arith.constant 0 : i32
    %scan3A_3 = arith.constant 0 : i32
    %scan3A_4 = arith.constant 4 : i32
    %scan3A_5 = arith.addi %scan3A_3, %scan3A_4 : i32
    %scan3A_6 = arith.constant 1 : i32
    %scan3A_7 = scf.for %scan3A_9 = %scan3A_3 to %scan3A_5 step %scan3A_6 iter_args(%scan3A_10 = %scan3A) -> (i32)  : i32 {
      %add3A_11 = arith.addi %mul3A_2, %scan3A_9 : i32
      %add3A_12 = arith.constant 1920 : i32
      %add3A_13 = arith.addi %add3A_12, %add3A_11 : i32
      "tpu.region"() ({
        %run_scoped3A = tpu.sem_alloc : memref<!tpu.dma_semaphore, #tpu.memory_space<semaphore_mem>>
        %dma_start3A = arith.constant 0 : i32
        %dma_start3A_24 = arith.constant 0 : i32
        %dma_start3A_25 = arith.constant 0 : i32
        %dma_start3A_26 = tpu.memref_slice %arg2[%add3A_13, %dma_start3A, %dma_start3A_24, %dma_start3A_25] : memref<2048x16x8x128xf32, #tpu.memory_space<hbm>> -> memref<1x16x8x128xf32, #tpu.memory_space<hbm>>
        %dma_start3A_27 = tpu.memref_squeeze %dma_start3A_26 : memref<1x16x8x128xf32, #tpu.memory_space<hbm>> -> memref<16x8x128xf32, #tpu.memory_space<hbm>>
        %dma_start3A_28 = arith.constant 0 : i32
        %dma_start3A_29 = arith.constant 0 : i32
        %dma_start3A_30 = arith.constant 0 : i32
        %dma_start3A_31 = tpu.memref_slice %arg2[%add3A_13, %dma_start3A_28, %dma_start3A_29, %dma_start3A_30] : memref<2048x16x8x128xf32, #tpu.memory_space<hbm>> -> memref<1x16x8x128xf32, #tpu.memory_space<hbm>>
        %dma_start3A_32 = tpu.memref_squeeze %dma_start3A_31 : memref<1x16x8x128xf32, #tpu.memory_space<hbm>> -> memref<16x8x128xf32, #tpu.memory_space<hbm>>
        tpu.enqueue_dma source(%dma_start3A_32 : memref<16x8x128xf32, #tpu.memory_space<hbm>>) target(%arg5 : memref<16x8x128xf32, #tpu.memory_space<vmem>>) target_semaphore(%run_scoped3A : memref<!tpu.dma_semaphore, #tpu.memory_space<semaphore_mem>>)
        %dma_wait3A = arith.constant 0 : i32
        %dma_wait3A_33 = arith.constant 0 : i32
        %dma_wait3A_34 = arith.constant 0 : i32
        %dma_wait3A_35 = tpu.memref_slice %arg2[%add3A_13, %dma_wait3A, %dma_wait3A_33, %dma_wait3A_34] : memref<2048x16x8x128xf32, #tpu.memory_space<hbm>> -> memref<1x16x8x128xf32, #tpu.memory_space<hbm>>
        %dma_wait3A_36 = tpu.memref_squeeze %dma_wait3A_35 : memref<1x16x8x128xf32, #tpu.memory_space<hbm>> -> memref<16x8x128xf32, #tpu.memory_space<hbm>>
        %dma_wait3A_37 = arith.constant 0 : i32
        %dma_wait3A_38 = arith.constant 0 : i32
        %dma_wait3A_39 = arith.constant 0 : i32
        %dma_wait3A_40 = tpu.memref_slice %arg2[%add3A_13, %dma_wait3A_37, %dma_wait3A_38, %dma_wait3A_39] : memref<2048x16x8x128xf32, #tpu.memory_space<hbm>> -> memref<1x16x8x128xf32, #tpu.memory_space<hbm>>
        %dma_wait3A_41 = tpu.memref_squeeze %dma_wait3A_40 : memref<1x16x8x128xf32, #tpu.memory_space<hbm>> -> memref<16x8x128xf32, #tpu.memory_space<hbm>>
        tpu.wait_dma2 semaphore(%run_scoped3A : memref<!tpu.dma_semaphore, #tpu.memory_space<semaphore_mem>>) src(%dma_wait3A_41 : memref<16x8x128xf32, #tpu.memory_space<hbm>>) dst(%arg5 : memref<16x8x128xf32, #tpu.memory_space<vmem>>)
        tpu.yield
      }) : () -> ()
      %add3A_14 = arith.constant 1920 : i32
      %add3A_15 = arith.addi %add3A_14, %add3A_11 : i32
      "tpu.region"() ({
        %run_scoped3A = tpu.sem_alloc : memref<!tpu.dma_semaphore, #tpu.memory_space<semaphore_mem>>
        %dma_start3A = arith.constant 0 : i32
        %dma_start3A_24 = arith.constant 0 : i32
        %dma_start3A_25 = arith.constant 0 : i32
        %dma_start3A_26 = tpu.memref_slice %arg3[%add3A_15, %dma_start3A, %dma_start3A_24, %dma_start3A_25] : memref<2048x16x8x128xf32, #tpu.memory_space<hbm>> -> memref<1x16x8x128xf32, #tpu.memory_space<hbm>>
        %dma_start3A_27 = tpu.memref_squeeze %dma_start3A_26 : memref<1x16x8x128xf32, #tpu.memory_space<hbm>> -> memref<16x8x128xf32, #tpu.memory_space<hbm>>
        %dma_start3A_28 = arith.constant 0 : i32
        %dma_start3A_29 = arith.constant 0 : i32
        %dma_start3A_30 = arith.constant 0 : i32
        %dma_start3A_31 = tpu.memref_slice %arg3[%add3A_15, %dma_start3A_28, %dma_start3A_29, %dma_start3A_30] : memref<2048x16x8x128xf32, #tpu.memory_space<hbm>> -> memref<1x16x8x128xf32, #tpu.memory_space<hbm>>
        %dma_start3A_32 = tpu.memref_squeeze %dma_start3A_31 : memref<1x16x8x128xf32, #tpu.memory_space<hbm>> -> memref<16x8x128xf32, #tpu.memory_space<hbm>>
        tpu.enqueue_dma source(%dma_start3A_32 : memref<16x8x128xf32, #tpu.memory_space<hbm>>) target(%arg6 : memref<16x8x128xf32, #tpu.memory_space<vmem>>) target_semaphore(%run_scoped3A : memref<!tpu.dma_semaphore, #tpu.memory_space<semaphore_mem>>)
        %dma_wait3A = arith.constant 0 : i32
        %dma_wait3A_33 = arith.constant 0 : i32
        %dma_wait3A_34 = arith.constant 0 : i32
        %dma_wait3A_35 = tpu.memref_slice %arg3[%add3A_15, %dma_wait3A, %dma_wait3A_33, %dma_wait3A_34] : memref<2048x16x8x128xf32, #tpu.memory_space<hbm>> -> memref<1x16x8x128xf32, #tpu.memory_space<hbm>>
        %dma_wait3A_36 = tpu.memref_squeeze %dma_wait3A_35 : memref<1x16x8x128xf32, #tpu.memory_space<hbm>> -> memref<16x8x128xf32, #tpu.memory_space<hbm>>
        %dma_wait3A_37 = arith.constant 0 : i32
        %dma_wait3A_38 = arith.constant 0 : i32
        %dma_wait3A_39 = arith.constant 0 : i32
        %dma_wait3A_40 = tpu.memref_slice %arg3[%add3A_15, %dma_wait3A_37, %dma_wait3A_38, %dma_wait3A_39] : memref<2048x16x8x128xf32, #tpu.memory_space<hbm>> -> memref<1x16x8x128xf32, #tpu.memory_space<hbm>>
        %dma_wait3A_41 = tpu.memref_squeeze %dma_wait3A_40 : memref<1x16x8x128xf32, #tpu.memory_space<hbm>> -> memref<16x8x128xf32, #tpu.memory_space<hbm>>
        tpu.wait_dma2 semaphore(%run_scoped3A : memref<!tpu.dma_semaphore, #tpu.memory_space<semaphore_mem>>) src(%dma_wait3A_41 : memref<16x8x128xf32, #tpu.memory_space<hbm>>) dst(%arg6 : memref<16x8x128xf32, #tpu.memory_space<vmem>>)
        tpu.yield
      }) : () -> ()
      %scan3A_16 = arith.constant 0 : i32
      %scan3A_17 = arith.constant 0 : i32
      %scan3A_18 = arith.constant 16 : i32
      %scan3A_19 = arith.addi %scan3A_17, %scan3A_18 : i32
      %scan3A_20 = arith.constant 1 : i32
      %scan3A_21 = scf.for %scan3A_24 = %scan3A_17 to %scan3A_19 step %scan3A_20 iter_args(%scan3A_25 = %scan3A_16) -> (i32)  : i32 {
        %scan3A_26 = arith.constant 0 : i32
        %scan3A_27 = arith.constant 0 : i32
        %scan3A_28 = arith.constant 8 : i32
        %scan3A_29 = arith.addi %scan3A_27, %scan3A_28 : i32
        %scan3A_30 = arith.constant 1 : i32
        %scan3A_31 = scf.for %scan3A_34 = %scan3A_27 to %scan3A_29 step %scan3A_30 iter_args(%scan3A_35 = %scan3A_26) -> (i32)  : i32 {
          %broadcast_in_dim3A = arith.constant 0.000000e+00 : f32
          %broadcast_in_dim3A_36 = vector.broadcast %broadcast_in_dim3A : f32 to vector<16xf32>
          %mul3A_37 = arith.constant 16 : i32
          %mul3A_38 = arith.muli %scan3A_34, %mul3A_37 : i32
          %get3A = arith.constant 0 : i32
          %get3A_39 = arith.index_cast %scan3A_24 : i32 to index
          %get3A_40 = arith.index_cast %get3A : i32 to index
          %get3A_41 = arith.index_cast %mul3A_38 : i32 to index
          %get3A_42 = tpu.vector_load %arg5[%get3A_39, %get3A_40, %get3A_41] {strides = array<i32>} : memref<16x8x128xf32, #tpu.memory_space<vmem>>, vector<1x1x16xf32>,
          %get3A_43 = vector.shape_cast %get3A_42 : vector<1x1x16xf32> to vector<16xf32>
          %mul3A_44 = arith.constant 16 : i32
          %mul3A_45 = arith.muli %scan3A_34, %mul3A_44 : i32
          %get3A_46 = arith.constant 0 : i32
          %get3A_47 = arith.index_cast %scan3A_24 : i32 to index
          %get3A_48 = arith.index_cast %get3A_46 : i32 to index
          %get3A_49 = arith.index_cast %mul3A_45 : i32 to index
          %get3A_50 = tpu.vector_load %arg6[%get3A_47, %get3A_48, %get3A_49] {strides = array<i32>} : memref<16x8x128xf32, #tpu.memory_space<vmem>>, vector<1x1x16xf32>,
          %get3A_51 = vector.shape_cast %get3A_50 : vector<1x1x16xf32> to vector<16xf32>
          %mul3A_52 = arith.mulf %get3A_43, %get3A_51 : vector<16xf32>
          %eq3A = arith.constant 0.000000e+00 : f32
          %eq3A_53 = vector.broadcast %eq3A : f32 to vector<16xf32>
          %eq3A_54 = arith.cmpf oeq, %mul3A_52, %eq3A_53 : vector<16xf32>
          %neg3A = arith.constant 0.000000e+00 : f32
          %neg3A_55 = vector.broadcast %neg3A : f32 to vector<16xf32>
          %neg3A_56 = arith.subf %neg3A_55, %mul3A_52 : vector<16xf32>
          %exp3A = math.exp %neg3A_56 : vector<16xf32>
          %add3A_57 = arith.constant 1.000000e+00 : f32
          %add3A_58 = vector.broadcast %add3A_57 : f32 to vector<16xf32>
          %add3A_59 = arith.addf %add3A_58, %exp3A : vector<16xf32>
          %div3A = arith.constant 1.000000e+00 : f32
          %div3A_60 = vector.broadcast %div3A : f32 to vector<16xf32>
          %div3A_61 = arith.divf %div3A_60, %add3A_59 : vector<16xf32>
          %mul3A_62 = arith.mulf %get3A_43, %div3A_61 : vector<16xf32>
          %neg3A_63 = arith.constant 0.000000e+00 : f32
          %neg3A_64 = vector.broadcast %neg3A_63 : f32 to vector<16xf32>
          %neg3A_65 = arith.subf %neg3A_64, %mul3A_62 : vector<16xf32>
          %exp3A_66 = math.exp %neg3A_65 : vector<16xf32>
          %add3A_67 = arith.constant 1.000000e+00 : f32
          %add3A_68 = vector.broadcast %add3A_67 : f32 to vector<16xf32>
          %add3A_69 = arith.addf %add3A_68, %exp3A_66 : vector<16xf32>
          %div3A_70 = arith.constant 1.000000e+00 : f32
          %div3A_71 = vector.broadcast %div3A_70 : f32 to vector<16xf32>
          %div3A_72 = arith.divf %div3A_71, %add3A_69 : vector<16xf32>
          %mul3A_73 = arith.constant 6.250000e-02 : f32
          %mul3A_74 = vector.broadcast %mul3A_73 : f32 to vector<16xf32>
          %mul3A_75 = arith.mulf %mul3A_74, %div3A_72 : vector<16xf32>
          %add3A_76 = arith.constant 1.000000e+00 : f32
          %add3A_77 = vector.broadcast %add3A_76 : f32 to vector<16xf32>
          %add3A_78 = arith.addf %mul3A_75, %add3A_77 : vector<16xf32>
          %jit3A = arith.constant 0.000000e+00 : f32
          %broadcast_in_dim3A_79 = vector.broadcast %jit3A : f32 to vector<16xf32>
          %select_n3A = arith.select %eq3A_54, %broadcast_in_dim3A_79, %add3A_78 : vector<16xi1>, vector<16xf32>
          %add3A_80 = arith.addf %broadcast_in_dim3A_36, %select_n3A : vector<16xf32>
          %mul3A_81 = arith.constant 16 : i32
          %mul3A_82 = arith.muli %scan3A_34, %mul3A_81 : i32
          %get3A_83 = arith.constant 1 : i32
          %get3A_84 = arith.index_cast %scan3A_24 : i32 to index
          %get3A_85 = arith.index_cast %get3A_83 : i32 to index
          %get3A_86 = arith.index_cast %mul3A_82 : i32 to index
          %get3A_87 = tpu.vector_load %arg5[%get3A_84, %get3A_85, %get3A_86] {strides = array<i32>} : memref<16x8x128xf32, #tpu.memory_space<vmem>>, vector<1x1x16xf32>,
          %get3A_88 = vector.shape_cast %get3A_87 : vector<1x1x16xf32> to vector<16xf32>
          %mul3A_89 = arith.constant 16 : i32
          %mul3A_90 = arith.muli %scan3A_34, %mul3A_89 : i32
          %get3A_91 = arith.constant 1 : i32
          %get3A_92 = arith.index_cast %scan3A_24 : i32 to index
          %get3A_93 = arith.index_cast %get3A_91 : i32 to index
          %get3A_94 = arith.index_cast %mul3A_90 : i32 to index
          %get3A_95 = tpu.vector_load %arg6[%get3A_92, %get3A_93, %get3A_94] {strides = array<i32>} : memref<16x8x128xf32, #tpu.memory_space<vmem>>, vector<1x1x16xf32>,
          %get3A_96 = vector.shape_cast %get3A_95 : vector<1x1x16xf32> to vector<16xf32>
          %mul3A_97 = arith.mulf %get3A_88, %get3A_96 : vector<16xf32>
          %eq3A_98 = arith.constant 0.000000e+00 : f32
          %eq3A_99 = vector.broadcast %eq3A_98 : f32 to vector<16xf32>
          %eq3A_100 = arith.cmpf oeq, %mul3A_97, %eq3A_99 : vector<16xf32>
          %neg3A_101 = arith.constant 0.000000e+00 : f32
          %neg3A_102 = vector.broadcast %neg3A_101 : f32 to vector<16xf32>
          %neg3A_103 = arith.subf %neg3A_102, %mul3A_97 : vector<16xf32>
          %exp3A_104 = math.exp %neg3A_103 : vector<16xf32>
          %add3A_105 = arith.constant 1.000000e+00 : f32
          %add3A_106 = vector.broadcast %add3A_105 : f32 to vector<16xf32>
          %add3A_107 = arith.addf %add3A_106, %exp3A_104 : vector<16xf32>
          %div3A_108 = arith.constant 1.000000e+00 : f32
          %div3A_109 = vector.broadcast %div3A_108 : f32 to vector<16xf32>
          %div3A_110 = arith.divf %div3A_109, %add3A_107 : vector<16xf32>
          %mul3A_111 = arith.mulf %get3A_88, %div3A_110 : vector<16xf32>
          %neg3A_112 = arith.constant 0.000000e+00 : f32
          %neg3A_113 = vector.broadcast %neg3A_112 : f32 to vector<16xf32>
          %neg3A_114 = arith.subf %neg3A_113, %mul3A_111 : vector<16xf32>
          %exp3A_115 = math.exp %neg3A_114 : vector<16xf32>
          %add3A_116 = arith.constant 1.000000e+00 : f32
          %add3A_117 = vector.broadcast %add3A_116 : f32 to vector<16xf32>
          %add3A_118 = arith.addf %add3A_117, %exp3A_115 : vector<16xf32>
          %div3A_119 = arith.constant 1.000000e+00 : f32
          %div3A_120 = vector.broadcast %div3A_119 : f32 to vector<16xf32>
          %div3A_121 = arith.divf %div3A_120, %add3A_118 : vector<16xf32>
          %mul3A_122 = arith.constant 6.250000e-02 : f32
          %mul3A_123 = vector.broadcast %mul3A_122 : f32 to vector<16xf32>
          %mul3A_124 = arith.mulf %mul3A_123, %div3A_121 : vector<16xf32>
          %add3A_125 = arith.constant 1.000000e+00 : f32
          %add3A_126 = vector.broadcast %add3A_125 : f32 to vector<16xf32>
          %add3A_127 = arith.addf %mul3A_124, %add3A_126 : vector<16xf32>
          %jit3A_128 = arith.constant 0.000000e+00 : f32
          %broadcast_in_dim3A_129 = vector.broadcast %jit3A_128 : f32 to vector<16xf32>
          %select_n3A_130 = arith.select %eq3A_100, %broadcast_in_dim3A_129, %add3A_127 : vector<16xi1>, vector<16xf32>
          %add3A_131 = arith.addf %add3A_80, %select_n3A_130 : vector<16xf32>
          %mul3A_132 = arith.constant 16 : i32
          %mul3A_133 = arith.muli %scan3A_34, %mul3A_132 : i32
          %get3A_134 = arith.constant 2 : i32
          %get3A_135 = arith.index_cast %scan3A_24 : i32 to index
          %get3A_136 = arith.index_cast %get3A_134 : i32 to index
          %get3A_137 = arith.index_cast %mul3A_133 : i32 to index
          %get3A_138 = tpu.vector_load %arg5[%get3A_135, %get3A_136, %get3A_137] {strides = array<i32>} : memref<16x8x128xf32, #tpu.memory_space<vmem>>, vector<1x1x16xf32>,
          %get3A_139 = vector.shape_cast %get3A_138 : vector<1x1x16xf32> to vector<16xf32>
          %mul3A_140 = arith.constant 16 : i32
          %mul3A_141 = arith.muli %scan3A_34, %mul3A_140 : i32
          %get3A_142 = arith.constant 2 : i32
          %get3A_143 = arith.index_cast %scan3A_24 : i32 to index
          %get3A_144 = arith.index_cast %get3A_142 : i32 to index
          %get3A_145 = arith.index_cast %mul3A_141 : i32 to index
          %get3A_146 = tpu.vector_load %arg6[%get3A_143, %get3A_144, %get3A_145] {strides = array<i32>} : memref<16x8x128xf32, #tpu.memory_space<vmem>>, vector<1x1x16xf32>,
          %get3A_147 = vector.shape_cast %get3A_146 : vector<1x1x16xf32> to vector<16xf32>
          %mul3A_148 = arith.mulf %get3A_139, %get3A_147 : vector<16xf32>
          %eq3A_149 = arith.constant 0.000000e+00 : f32
          %eq3A_150 = vector.broadcast %eq3A_149 : f32 to vector<16xf32>
          %eq3A_151 = arith.cmpf oeq, %mul3A_148, %eq3A_150 : vector<16xf32>
          %neg3A_152 = arith.constant 0.000000e+00 : f32
          %neg3A_153 = vector.broadcast %neg3A_152 : f32 to vector<16xf32>
          %neg3A_154 = arith.subf %neg3A_153, %mul3A_148 : vector<16xf32>
          %exp3A_155 = math.exp %neg3A_154 : vector<16xf32>
          %add3A_156 = arith.constant 1.000000e+00 : f32
          %add3A_157 = vector.broadcast %add3A_156 : f32 to vector<16xf32>
          %add3A_158 = arith.addf %add3A_157, %exp3A_155 : vector<16xf32>
          %div3A_159 = arith.constant 1.000000e+00 : f32
          %div3A_160 = vector.broadcast %div3A_159 : f32 to vector<16xf32>
          %div3A_161 = arith.divf %div3A_160, %add3A_158 : vector<16xf32>
          %mul3A_162 = arith.mulf %get3A_139, %div3A_161 : vector<16xf32>
          %neg3A_163 = arith.constant 0.000000e+00 : f32
          %neg3A_164 = vector.broadcast %neg3A_163 : f32 to vector<16xf32>
          %neg3A_165 = arith.subf %neg3A_164, %mul3A_162 : vector<16xf32>
          %exp3A_166 = math.exp %neg3A_165 : vector<16xf32>
          %add3A_167 = arith.constant 1.000000e+00 : f32
          %add3A_168 = vector.broadcast %add3A_167 : f32 to vector<16xf32>
          %add3A_169 = arith.addf %add3A_168, %exp3A_166 : vector<16xf32>
          %div3A_170 = arith.constant 1.000000e+00 : f32
          %div3A_171 = vector.broadcast %div3A_170 : f32 to vector<16xf32>
          %div3A_172 = arith.divf %div3A_171, %add3A_169 : vector<16xf32>
          %mul3A_173 = arith.constant 6.250000e-02 : f32
          %mul3A_174 = vector.broadcast %mul3A_173 : f32 to vector<16xf32>
          %mul3A_175 = arith.mulf %mul3A_174, %div3A_172 : vector<16xf32>
          %add3A_176 = arith.constant 1.000000e+00 : f32
          %add3A_177 = vector.broadcast %add3A_176 : f32 to vector<16xf32>
          %add3A_178 = arith.addf %mul3A_175, %add3A_177 : vector<16xf32>
          %jit3A_179 = arith.constant 0.000000e+00 : f32
          %broadcast_in_dim3A_180 = vector.broadcast %jit3A_179 : f32 to vector<16xf32>
          %select_n3A_181 = arith.select %eq3A_151, %broadcast_in_dim3A_180, %add3A_178 : vector<16xi1>, vector<16xf32>
          %add3A_182 = arith.addf %add3A_131, %select_n3A_181 : vector<16xf32>
          %mul3A_183 = arith.constant 16 : i32
          %mul3A_184 = arith.muli %scan3A_34, %mul3A_183 : i32
          %get3A_185 = arith.constant 3 : i32
          %get3A_186 = arith.index_cast %scan3A_24 : i32 to index
          %get3A_187 = arith.index_cast %get3A_185 : i32 to index
          %get3A_188 = arith.index_cast %mul3A_184 : i32 to index
          %get3A_189 = tpu.vector_load %arg5[%get3A_186, %get3A_187, %get3A_188] {strides = array<i32>} : memref<16x8x128xf32, #tpu.memory_space<vmem>>, vector<1x1x16xf32>,
          %get3A_190 = vector.shape_cast %get3A_189 : vector<1x1x16xf32> to vector<16xf32>
          %mul3A_191 = arith.constant 16 : i32
          %mul3A_192 = arith.muli %scan3A_34, %mul3A_191 : i32
          %get3A_193 = arith.constant 3 : i32
          %get3A_194 = arith.index_cast %scan3A_24 : i32 to index
          %get3A_195 = arith.index_cast %get3A_193 : i32 to index
          %get3A_196 = arith.index_cast %mul3A_192 : i32 to index
          %get3A_197 = tpu.vector_load %arg6[%get3A_194, %get3A_195, %get3A_196] {strides = array<i32>} : memref<16x8x128xf32, #tpu.memory_space<vmem>>, vector<1x1x16xf32>,
          %get3A_198 = vector.shape_cast %get3A_197 : vector<1x1x16xf32> to vector<16xf32>
          %mul3A_199 = arith.mulf %get3A_190, %get3A_198 : vector<16xf32>
          %eq3A_200 = arith.constant 0.000000e+00 : f32
          %eq3A_201 = vector.broadcast %eq3A_200 : f32 to vector<16xf32>
          %eq3A_202 = arith.cmpf oeq, %mul3A_199, %eq3A_201 : vector<16xf32>
          %neg3A_203 = arith.constant 0.000000e+00 : f32
          %neg3A_204 = vector.broadcast %neg3A_203 : f32 to vector<16xf32>
          %neg3A_205 = arith.subf %neg3A_204, %mul3A_199 : vector<16xf32>
          %exp3A_206 = math.exp %neg3A_205 : vector<16xf32>
          %add3A_207 = arith.constant 1.000000e+00 : f32
          %add3A_208 = vector.broadcast %add3A_207 : f32 to vector<16xf32>
          %add3A_209 = arith.addf %add3A_208, %exp3A_206 : vector<16xf32>
          %div3A_210 = arith.constant 1.000000e+00 : f32
          %div3A_211 = vector.broadcast %div3A_210 : f32 to vector<16xf32>
          %div3A_212 = arith.divf %div3A_211, %add3A_209 : vector<16xf32>
          %mul3A_213 = arith.mulf %get3A_190, %div3A_212 : vector<16xf32>
          %neg3A_214 = arith.constant 0.000000e+00 : f32
          %neg3A_215 = vector.broadcast %neg3A_214 : f32 to vector<16xf32>
          %neg3A_216 = arith.subf %neg3A_215, %mul3A_213 : vector<16xf32>
          %exp3A_217 = math.exp %neg3A_216 : vector<16xf32>
          %add3A_218 = arith.constant 1.000000e+00 : f32
          %add3A_219 = vector.broadcast %add3A_218 : f32 to vector<16xf32>
          %add3A_220 = arith.addf %add3A_219, %exp3A_217 : vector<16xf32>
          %div3A_221 = arith.constant 1.000000e+00 : f32
          %div3A_222 = vector.broadcast %div3A_221 : f32 to vector<16xf32>
          %div3A_223 = arith.divf %div3A_222, %add3A_220 : vector<16xf32>
          %mul3A_224 = arith.constant 6.250000e-02 : f32
          %mul3A_225 = vector.broadcast %mul3A_224 : f32 to vector<16xf32>
          %mul3A_226 = arith.mulf %mul3A_225, %div3A_223 : vector<16xf32>
          %add3A_227 = arith.constant 1.000000e+00 : f32
          %add3A_228 = vector.broadcast %add3A_227 : f32 to vector<16xf32>
          %add3A_229 = arith.addf %mul3A_226, %add3A_228 : vector<16xf32>
          %jit3A_230 = arith.constant 0.000000e+00 : f32
          %broadcast_in_dim3A_231 = vector.broadcast %jit3A_230 : f32 to vector<16xf32>
          %select_n3A_232 = arith.select %eq3A_202, %broadcast_in_dim3A_231, %add3A_229 : vector<16xi1>, vector<16xf32>
          %add3A_233 = arith.addf %add3A_182, %select_n3A_232 : vector<16xf32>
          %mul3A_234 = arith.constant 16 : i32
          %mul3A_235 = arith.muli %scan3A_34, %mul3A_234 : i32
          %get3A_236 = arith.constant 4 : i32
          %get3A_237 = arith.index_cast %scan3A_24 : i32 to index
          %get3A_238 = arith.index_cast %get3A_236 : i32 to index
          %get3A_239 = arith.index_cast %mul3A_235 : i32 to index
          %get3A_240 = tpu.vector_load %arg5[%get3A_237, %get3A_238, %get3A_239] {strides = array<i32>} : memref<16x8x128xf32, #tpu.memory_space<vmem>>, vector<1x1x16xf32>,
          %get3A_241 = vector.shape_cast %get3A_240 : vector<1x1x16xf32> to vector<16xf32>
          %mul3A_242 = arith.constant 16 : i32
          %mul3A_243 = arith.muli %scan3A_34, %mul3A_242 : i32
          %get3A_244 = arith.constant 4 : i32
          %get3A_245 = arith.index_cast %scan3A_24 : i32 to index
          %get3A_246 = arith.index_cast %get3A_244 : i32 to index
          %get3A_247 = arith.index_cast %mul3A_243 : i32 to index
          %get3A_248 = tpu.vector_load %arg6[%get3A_245, %get3A_246, %get3A_247] {strides = array<i32>} : memref<16x8x128xf32, #tpu.memory_space<vmem>>, vector<1x1x16xf32>,
          %get3A_249 = vector.shape_cast %get3A_248 : vector<1x1x16xf32> to vector<16xf32>
          %mul3A_250 = arith.mulf %get3A_241, %get3A_249 : vector<16xf32>
          %eq3A_251 = arith.constant 0.000000e+00 : f32
          %eq3A_252 = vector.broadcast %eq3A_251 : f32 to vector<16xf32>
          %eq3A_253 = arith.cmpf oeq, %mul3A_250, %eq3A_252 : vector<16xf32>
          %neg3A_254 = arith.constant 0.000000e+00 : f32
          %neg3A_255 = vector.broadcast %neg3A_254 : f32 to vector<16xf32>
          %neg3A_256 = arith.subf %neg3A_255, %mul3A_250 : vector<16xf32>
          %exp3A_257 = math.exp %neg3A_256 : vector<16xf32>
          %add3A_258 = arith.constant 1.000000e+00 : f32
          %add3A_259 = vector.broadcast %add3A_258 : f32 to vector<16xf32>
          %add3A_260 = arith.addf %add3A_259, %exp3A_257 : vector<16xf32>
          %div3A_261 = arith.constant 1.000000e+00 : f32
          %div3A_262 = vector.broadcast %div3A_261 : f32 to vector<16xf32>
          %div3A_263 = arith.divf %div3A_262, %add3A_260 : vector<16xf32>
          %mul3A_264 = arith.mulf %get3A_241, %div3A_263 : vector<16xf32>
          %neg3A_265 = arith.constant 0.000000e+00 : f32
          %neg3A_266 = vector.broadcast %neg3A_265 : f32 to vector<16xf32>
          %neg3A_267 = arith.subf %neg3A_266, %mul3A_264 : vector<16xf32>
          %exp3A_268 = math.exp %neg3A_267 : vector<16xf32>
          %add3A_269 = arith.constant 1.000000e+00 : f32
          %add3A_270 = vector.broadcast %add3A_269 : f32 to vector<16xf32>
          %add3A_271 = arith.addf %add3A_270, %exp3A_268 : vector<16xf32>
          %div3A_272 = arith.constant 1.000000e+00 : f32
          %div3A_273 = vector.broadcast %div3A_272 : f32 to vector<16xf32>
          %div3A_274 = arith.divf %div3A_273, %add3A_271 : vector<16xf32>
          %mul3A_275 = arith.constant 6.250000e-02 : f32
          %mul3A_276 = vector.broadcast %mul3A_275 : f32 to vector<16xf32>
          %mul3A_277 = arith.mulf %mul3A_276, %div3A_274 : vector<16xf32>
          %add3A_278 = arith.constant 1.000000e+00 : f32
          %add3A_279 = vector.broadcast %add3A_278 : f32 to vector<16xf32>
          %add3A_280 = arith.addf %mul3A_277, %add3A_279 : vector<16xf32>
          %jit3A_281 = arith.constant 0.000000e+00 : f32
          %broadcast_in_dim3A_282 = vector.broadcast %jit3A_281 : f32 to vector<16xf32>
          %select_n3A_283 = arith.select %eq3A_253, %broadcast_in_dim3A_282, %add3A_280 : vector<16xi1>, vector<16xf32>
          %add3A_284 = arith.addf %add3A_233, %select_n3A_283 : vector<16xf32>
          %mul3A_285 = arith.constant 16 : i32
          %mul3A_286 = arith.muli %scan3A_34, %mul3A_285 : i32
          %get3A_287 = arith.constant 5 : i32
          %get3A_288 = arith.index_cast %scan3A_24 : i32 to index
          %get3A_289 = arith.index_cast %get3A_287 : i32 to index
          %get3A_290 = arith.index_cast %mul3A_286 : i32 to index
          %get3A_291 = tpu.vector_load %arg5[%get3A_288, %get3A_289, %get3A_290] {strides = array<i32>} : memref<16x8x128xf32, #tpu.memory_space<vmem>>, vector<1x1x16xf32>,
          %get3A_292 = vector.shape_cast %get3A_291 : vector<1x1x16xf32> to vector<16xf32>
          %mul3A_293 = arith.constant 16 : i32
          %mul3A_294 = arith.muli %scan3A_34, %mul3A_293 : i32
          %get3A_295 = arith.constant 5 : i32
          %get3A_296 = arith.index_cast %scan3A_24 : i32 to index
          %get3A_297 = arith.index_cast %get3A_295 : i32 to index
          %get3A_298 = arith.index_cast %mul3A_294 : i32 to index
          %get3A_299 = tpu.vector_load %arg6[%get3A_296, %get3A_297, %get3A_298] {strides = array<i32>} : memref<16x8x128xf32, #tpu.memory_space<vmem>>, vector<1x1x16xf32>,
          %get3A_300 = vector.shape_cast %get3A_299 : vector<1x1x16xf32> to vector<16xf32>
          %mul3A_301 = arith.mulf %get3A_292, %get3A_300 : vector<16xf32>
          %eq3A_302 = arith.constant 0.000000e+00 : f32
          %eq3A_303 = vector.broadcast %eq3A_302 : f32 to vector<16xf32>
          %eq3A_304 = arith.cmpf oeq, %mul3A_301, %eq3A_303 : vector<16xf32>
          %neg3A_305 = arith.constant 0.000000e+00 : f32
          %neg3A_306 = vector.broadcast %neg3A_305 : f32 to vector<16xf32>
          %neg3A_307 = arith.subf %neg3A_306, %mul3A_301 : vector<16xf32>
          %exp3A_308 = math.exp %neg3A_307 : vector<16xf32>
          %add3A_309 = arith.constant 1.000000e+00 : f32
          %add3A_310 = vector.broadcast %add3A_309 : f32 to vector<16xf32>
          %add3A_311 = arith.addf %add3A_310, %exp3A_308 : vector<16xf32>
          %div3A_312 = arith.constant 1.000000e+00 : f32
          %div3A_313 = vector.broadcast %div3A_312 : f32 to vector<16xf32>
          %div3A_314 = arith.divf %div3A_313, %add3A_311 : vector<16xf32>
          %mul3A_315 = arith.mulf %get3A_292, %div3A_314 : vector<16xf32>
          %neg3A_316 = arith.constant 0.000000e+00 : f32
          %neg3A_317 = vector.broadcast %neg3A_316 : f32 to vector<16xf32>
          %neg3A_318 = arith.subf %neg3A_317, %mul3A_315 : vector<16xf32>
          %exp3A_319 = math.exp %neg3A_318 : vector<16xf32>
          %add3A_320 = arith.constant 1.000000e+00 : f32
          %add3A_321 = vector.broadcast %add3A_320 : f32 to vector<16xf32>
          %add3A_322 = arith.addf %add3A_321, %exp3A_319 : vector<16xf32>
          %div3A_323 = arith.constant 1.000000e+00 : f32
          %div3A_324 = vector.broadcast %div3A_323 : f32 to vector<16xf32>
          %div3A_325 = arith.divf %div3A_324, %add3A_322 : vector<16xf32>
          %mul3A_326 = arith.constant 6.250000e-02 : f32
          %mul3A_327 = vector.broadcast %mul3A_326 : f32 to vector<16xf32>
          %mul3A_328 = arith.mulf %mul3A_327, %div3A_325 : vector<16xf32>
          %add3A_329 = arith.constant 1.000000e+00 : f32
          %add3A_330 = vector.broadcast %add3A_329 : f32 to vector<16xf32>
          %add3A_331 = arith.addf %mul3A_328, %add3A_330 : vector<16xf32>
          %jit3A_332 = arith.constant 0.000000e+00 : f32
          %broadcast_in_dim3A_333 = vector.broadcast %jit3A_332 : f32 to vector<16xf32>
          %select_n3A_334 = arith.select %eq3A_304, %broadcast_in_dim3A_333, %add3A_331 : vector<16xi1>, vector<16xf32>
          %add3A_335 = arith.addf %add3A_284, %select_n3A_334 : vector<16xf32>
          %mul3A_336 = arith.constant 16 : i32
          %mul3A_337 = arith.muli %scan3A_34, %mul3A_336 : i32
          %get3A_338 = arith.constant 6 : i32
          %get3A_339 = arith.index_cast %scan3A_24 : i32 to index
          %get3A_340 = arith.index_cast %get3A_338 : i32 to index
          %get3A_341 = arith.index_cast %mul3A_337 : i32 to index
          %get3A_342 = tpu.vector_load %arg5[%get3A_339, %get3A_340, %get3A_341] {strides = array<i32>} : memref<16x8x128xf32, #tpu.memory_space<vmem>>, vector<1x1x16xf32>,
          %get3A_343 = vector.shape_cast %get3A_342 : vector<1x1x16xf32> to vector<16xf32>
          %mul3A_344 = arith.constant 16 : i32
          %mul3A_345 = arith.muli %scan3A_34, %mul3A_344 : i32
          %get3A_346 = arith.constant 6 : i32
          %get3A_347 = arith.index_cast %scan3A_24 : i32 to index
          %get3A_348 = arith.index_cast %get3A_346 : i32 to index
          %get3A_349 = arith.index_cast %mul3A_345 : i32 to index
          %get3A_350 = tpu.vector_load %arg6[%get3A_347, %get3A_348, %get3A_349] {strides = array<i32>} : memref<16x8x128xf32, #tpu.memory_space<vmem>>, vector<1x1x16xf32>,
          %get3A_351 = vector.shape_cast %get3A_350 : vector<1x1x16xf32> to vector<16xf32>
          %mul3A_352 = arith.mulf %get3A_343, %get3A_351 : vector<16xf32>
          %eq3A_353 = arith.constant 0.000000e+00 : f32
          %eq3A_354 = vector.broadcast %eq3A_353 : f32 to vector<16xf32>
          %eq3A_355 = arith.cmpf oeq, %mul3A_352, %eq3A_354 : vector<16xf32>
          %neg3A_356 = arith.constant 0.000000e+00 : f32
          %neg3A_357 = vector.broadcast %neg3A_356 : f32 to vector<16xf32>
          %neg3A_358 = arith.subf %neg3A_357, %mul3A_352 : vector<16xf32>
          %exp3A_359 = math.exp %neg3A_358 : vector<16xf32>
          %add3A_360 = arith.constant 1.000000e+00 : f32
          %add3A_361 = vector.broadcast %add3A_360 : f32 to vector<16xf32>
          %add3A_362 = arith.addf %add3A_361, %exp3A_359 : vector<16xf32>
          %div3A_363 = arith.constant 1.000000e+00 : f32
          %div3A_364 = vector.broadcast %div3A_363 : f32 to vector<16xf32>
          %div3A_365 = arith.divf %div3A_364, %add3A_362 : vector<16xf32>
          %mul3A_366 = arith.mulf %get3A_343, %div3A_365 : vector<16xf32>
          %neg3A_367 = arith.constant 0.000000e+00 : f32
          %neg3A_368 = vector.broadcast %neg3A_367 : f32 to vector<16xf32>
          %neg3A_369 = arith.subf %neg3A_368, %mul3A_366 : vector<16xf32>
          %exp3A_370 = math.exp %neg3A_369 : vector<16xf32>
          %add3A_371 = arith.constant 1.000000e+00 : f32
          %add3A_372 = vector.broadcast %add3A_371 : f32 to vector<16xf32>
          %add3A_373 = arith.addf %add3A_372, %exp3A_370 : vector<16xf32>
          %div3A_374 = arith.constant 1.000000e+00 : f32
          %div3A_375 = vector.broadcast %div3A_374 : f32 to vector<16xf32>
          %div3A_376 = arith.divf %div3A_375, %add3A_373 : vector<16xf32>
          %mul3A_377 = arith.constant 6.250000e-02 : f32
          %mul3A_378 = vector.broadcast %mul3A_377 : f32 to vector<16xf32>
          %mul3A_379 = arith.mulf %mul3A_378, %div3A_376 : vector<16xf32>
          %add3A_380 = arith.constant 1.000000e+00 : f32
          %add3A_381 = vector.broadcast %add3A_380 : f32 to vector<16xf32>
          %add3A_382 = arith.addf %mul3A_379, %add3A_381 : vector<16xf32>
          %jit3A_383 = arith.constant 0.000000e+00 : f32
          %broadcast_in_dim3A_384 = vector.broadcast %jit3A_383 : f32 to vector<16xf32>
          %select_n3A_385 = arith.select %eq3A_355, %broadcast_in_dim3A_384, %add3A_382 : vector<16xi1>, vector<16xf32>
          %add3A_386 = arith.addf %add3A_335, %select_n3A_385 : vector<16xf32>
          %mul3A_387 = arith.constant 16 : i32
          %mul3A_388 = arith.muli %scan3A_34, %mul3A_387 : i32
          %get3A_389 = arith.constant 7 : i32
          %get3A_390 = arith.index_cast %scan3A_24 : i32 to index
          %get3A_391 = arith.index_cast %get3A_389 : i32 to index
          %get3A_392 = arith.index_cast %mul3A_388 : i32 to index
          %get3A_393 = tpu.vector_load %arg5[%get3A_390, %get3A_391, %get3A_392] {strides = array<i32>} : memref<16x8x128xf32, #tpu.memory_space<vmem>>, vector<1x1x16xf32>,
          %get3A_394 = vector.shape_cast %get3A_393 : vector<1x1x16xf32> to vector<16xf32>
          %mul3A_395 = arith.constant 16 : i32
          %mul3A_396 = arith.muli %scan3A_34, %mul3A_395 : i32
          %get3A_397 = arith.constant 7 : i32
          %get3A_398 = arith.index_cast %scan3A_24 : i32 to index
          %get3A_399 = arith.index_cast %get3A_397 : i32 to index
          %get3A_400 = arith.index_cast %mul3A_396 : i32 to index
          %get3A_401 = tpu.vector_load %arg6[%get3A_398, %get3A_399, %get3A_400] {strides = array<i32>} : memref<16x8x128xf32, #tpu.memory_space<vmem>>, vector<1x1x16xf32>,
          %get3A_402 = vector.shape_cast %get3A_401 : vector<1x1x16xf32> to vector<16xf32>
          %mul3A_403 = arith.mulf %get3A_394, %get3A_402 : vector<16xf32>
          %eq3A_404 = arith.constant 0.000000e+00 : f32
          %eq3A_405 = vector.broadcast %eq3A_404 : f32 to vector<16xf32>
          %eq3A_406 = arith.cmpf oeq, %mul3A_403, %eq3A_405 : vector<16xf32>
          %neg3A_407 = arith.constant 0.000000e+00 : f32
          %neg3A_408 = vector.broadcast %neg3A_407 : f32 to vector<16xf32>
          %neg3A_409 = arith.subf %neg3A_408, %mul3A_403 : vector<16xf32>
          %exp3A_410 = math.exp %neg3A_409 : vector<16xf32>
          %add3A_411 = arith.constant 1.000000e+00 : f32
          %add3A_412 = vector.broadcast %add3A_411 : f32 to vector<16xf32>
          %add3A_413 = arith.addf %add3A_412, %exp3A_410 : vector<16xf32>
          %div3A_414 = arith.constant 1.000000e+00 : f32
          %div3A_415 = vector.broadcast %div3A_414 : f32 to vector<16xf32>
          %div3A_416 = arith.divf %div3A_415, %add3A_413 : vector<16xf32>
          %mul3A_417 = arith.mulf %get3A_394, %div3A_416 : vector<16xf32>
          %neg3A_418 = arith.constant 0.000000e+00 : f32
          %neg3A_419 = vector.broadcast %neg3A_418 : f32 to vector<16xf32>
          %neg3A_420 = arith.subf %neg3A_419, %mul3A_417 : vector<16xf32>
          %exp3A_421 = math.exp %neg3A_420 : vector<16xf32>
          %add3A_422 = arith.constant 1.000000e+00 : f32
          %add3A_423 = vector.broadcast %add3A_422 : f32 to vector<16xf32>
          %add3A_424 = arith.addf %add3A_423, %exp3A_421 : vector<16xf32>
          %div3A_425 = arith.constant 1.000000e+00 : f32
          %div3A_426 = vector.broadcast %div3A_425 : f32 to vector<16xf32>
          %div3A_427 = arith.divf %div3A_426, %add3A_424 : vector<16xf32>
          %mul3A_428 = arith.constant 6.250000e-02 : f32
          %mul3A_429 = vector.broadcast %mul3A_428 : f32 to vector<16xf32>
          %mul3A_430 = arith.mulf %mul3A_429, %div3A_427 : vector<16xf32>
          %add3A_431 = arith.constant 1.000000e+00 : f32
          %add3A_432 = vector.broadcast %add3A_431 : f32 to vector<16xf32>
          %add3A_433 = arith.addf %mul3A_430, %add3A_432 : vector<16xf32>
          %jit3A_434 = arith.constant 0.000000e+00 : f32
          %broadcast_in_dim3A_435 = vector.broadcast %jit3A_434 : f32 to vector<16xf32>
          %select_n3A_436 = arith.select %eq3A_406, %broadcast_in_dim3A_435, %add3A_433 : vector<16xi1>, vector<16xf32>
          %add3A_437 = arith.addf %add3A_386, %select_n3A_436 : vector<16xf32>
          %convert_element_type3A = arith.fptosi %add3A_437 : vector<16xf32> to vector<16xi32>
          %convert_element_type3A_438 = arith.sitofp %convert_element_type3A : vector<16xi32> to vector<16xf32>
          %sub3A = arith.subf %add3A_437, %convert_element_type3A_438 : vector<16xf32>
          %mul3A_439 = arith.constant 1.600000e+01 : f32
          %mul3A_440 = vector.broadcast %mul3A_439 : f32 to vector<16xf32>
          %mul3A_441 = arith.mulf %sub3A, %mul3A_440 : vector<16xf32>
          %gt3A = arith.constant 0.000000e+00 : f32
          %gt3A_442 = vector.broadcast %gt3A : f32 to vector<16xf32>
          %gt3A_443 = arith.cmpf ogt, %convert_element_type3A_438, %gt3A_442 : vector<16xf32>
          %div3A_444 = arith.divf %mul3A_441, %convert_element_type3A_438 : vector<16xf32>
          %jit3A_445 = arith.constant 0.000000e+00 : f32
          %broadcast_in_dim3A_446 = vector.broadcast %jit3A_445 : f32 to vector<16xf32>
          %select_n3A_447 = arith.select %gt3A_443, %div3A_444, %broadcast_in_dim3A_446 : vector<16xi1>, vector<16xf32>
          %mul3A_448 = arith.constant 128 : i32
          %mul3A_449 = arith.muli %scan3A_24, %mul3A_448 : i32
          %mul3A_450 = arith.constant 16 : i32
          %mul3A_451 = arith.muli %scan3A_34, %mul3A_450 : i32
          %add3A_452 = arith.addi %mul3A_449, %mul3A_451 : i32
          %swap3A = arith.index_cast %add3A_452 : i32 to index
          %swap3A_453 = tpu.vector_load %arg7[%swap3A] {strides = array<i32>} : memref<2048xf32, #tpu.memory_space<vmem>>, vector<16xf32>,
          %swap3A_454 = vector.shape_cast %swap3A_453 : vector<16xf32> to vector<16xf32>
          %swap3A_455 = vector.shape_cast %select_n3A_447 : vector<16xf32> to vector<16xf32>
          tpu.vector_store %arg7[%swap3A], %swap3A_455 {strides = array<i32>} : memref<2048xf32, #tpu.memory_space<vmem>>, vector<16xf32>,
          %scan3A_456 = arith.constant 0 : i32
          scf.yield %scan3A_456 : i32
        }
        %scan3A_32 = arith.constant 8 : i32
        %scan3A_33 = arith.constant 0 : i32
        scf.yield %scan3A_33 : i32
      }
      %scan3A_22 = arith.constant 16 : i32
      "tpu.region"() ({
        %run_scoped3A = tpu.sem_alloc : memref<!tpu.dma_semaphore, #tpu.memory_space<semaphore_mem>>
        %dma_start3A = arith.constant 0 : i32
        %dma_start3A_24 = tpu.memref_slice %arg4[%add3A_11, %dma_start3A] : memref<128x2048xf32, #tpu.memory_space<hbm>> -> memref<1x2048xf32, #tpu.memory_space<hbm>>
        %dma_start3A_25 = tpu.memref_squeeze %dma_start3A_24 : memref<1x2048xf32, #tpu.memory_space<hbm>> -> memref<2048xf32, #tpu.memory_space<hbm>>
        %dma_start3A_26 = arith.constant 0 : i32
        %dma_start3A_27 = tpu.memref_slice %arg4[%add3A_11, %dma_start3A_26] : memref<128x2048xf32, #tpu.memory_space<hbm>> -> memref<1x2048xf32, #tpu.memory_space<hbm>>
        %dma_start3A_28 = tpu.memref_squeeze %dma_start3A_27 : memref<1x2048xf32, #tpu.memory_space<hbm>> -> memref<2048xf32, #tpu.memory_space<hbm>>
        tpu.enqueue_dma source(%arg7 : memref<2048xf32, #tpu.memory_space<vmem>>) target(%dma_start3A_28 : memref<2048xf32, #tpu.memory_space<hbm>>) target_semaphore(%run_scoped3A : memref<!tpu.dma_semaphore, #tpu.memory_space<semaphore_mem>>)
        %dma_wait3A = arith.constant 0 : i32
        %dma_wait3A_29 = tpu.memref_slice %arg4[%add3A_11, %dma_wait3A] : memref<128x2048xf32, #tpu.memory_space<hbm>> -> memref<1x2048xf32, #tpu.memory_space<hbm>>
        %dma_wait3A_30 = tpu.memref_squeeze %dma_wait3A_29 : memref<1x2048xf32, #tpu.memory_space<hbm>> -> memref<2048xf32, #tpu.memory_space<hbm>>
        %dma_wait3A_31 = arith.constant 0 : i32
        %dma_wait3A_32 = tpu.memref_slice %arg4[%add3A_11, %dma_wait3A_31] : memref<128x2048xf32, #tpu.memory_space<hbm>> -> memref<1x2048xf32, #tpu.memory_space<hbm>>
        %dma_wait3A_33 = tpu.memref_squeeze %dma_wait3A_32 : memref<1x2048xf32, #tpu.memory_space<hbm>> -> memref<2048xf32, #tpu.memory_space<hbm>>
        tpu.wait_dma2 semaphore(%run_scoped3A : memref<!tpu.dma_semaphore, #tpu.memory_space<semaphore_mem>>) src(%arg7 : memref<2048xf32, #tpu.memory_space<vmem>>) dst(%dma_wait3A_33 : memref<2048xf32, #tpu.memory_space<hbm>>)
        tpu.yield
      }) : () -> ()
      %scan3A_23 = arith.constant 0 : i32
      scf.yield %scan3A_23 : i32
    }
    %scan3A_8 = arith.constant 4 : i32
    return
  }
}

module attributes {stable_mosaic.version = 14 : i64} {
  func.func @_tc_body(%arg0: i32, %arg1: memref<128x8x2048xf32, #tpu.memory_space<vmem>>, %arg2: memref<128x8x2048xf32, #tpu.memory_space<vmem>>, %arg3: memref<128x2048xf32, #tpu.memory_space<vmem>>, %arg4: memref<128x2048xf32, #tpu.memory_space<vmem>>) attributes {dimension_semantics = [#tpu.dimension_semantics<arbitrary>], iteration_bounds = array<i64: 15>, scalar_prefetch = 0 : i64, scratch_operands = 1 : i64, tpu.core_type = #tpu.core_type<tc>, window_params = [{transform_indices = @transform_0, window_bounds = array<i64: 128, 8, 2048>}, {transform_indices = @transform_1, window_bounds = array<i64: 128, 8, 2048>}, {transform_indices = @transform_2, window_bounds = array<i64: 128, 2048>}]} {
    %get3A = arith.constant 0 : index
    %get3A_0 = arith.constant 0 : index
    %get3A_1 = arith.constant 0 : index
    %get3A_2 = vector.load %arg1[%get3A, %get3A_0, %get3A_1] : memref<128x8x2048xf32, #tpu.memory_space<vmem>>, vector<128x8x2048xf32>
    %get3A_3 = arith.constant 0 : index
    %get3A_4 = arith.constant 0 : index
    %get3A_5 = arith.constant 0 : index
    %get3A_6 = vector.load %arg2[%get3A_3, %get3A_4, %get3A_5] : memref<128x8x2048xf32, #tpu.memory_space<vmem>>, vector<128x8x2048xf32>
    %mul3A = arith.mulf %get3A_6, %get3A_2 : vector<128x8x2048xf32>
    %eq3A = arith.constant 0.000000e+00 : f32
    %eq3A_7 = vector.broadcast %eq3A : f32 to vector<128x8x2048xf32>
    %eq3A_8 = arith.cmpf oeq, %mul3A, %eq3A_7 : vector<128x8x2048xf32>
    %mul3A_9 = arith.constant 5.000000e-01 : f32
    %mul3A_10 = vector.broadcast %mul3A_9 : f32 to vector<128x8x2048xf32>
    %mul3A_11 = arith.mulf %mul3A_10, %mul3A : vector<128x8x2048xf32>
    %tanh3A = math.tanh %mul3A_11 : vector<128x8x2048xf32>
    %mul3A_12 = arith.constant 5.000000e-01 : f32
    %mul3A_13 = vector.broadcast %mul3A_12 : f32 to vector<128x8x2048xf32>
    %mul3A_14 = arith.mulf %mul3A_13, %get3A_2 : vector<128x8x2048xf32>
    %mul3A_15 = arith.mulf %mul3A_14, %tanh3A : vector<128x8x2048xf32>
    %add3A = arith.addf %mul3A_15, %mul3A_14 : vector<128x8x2048xf32>
    %mul3A_16 = arith.constant 5.000000e-01 : f32
    %mul3A_17 = vector.broadcast %mul3A_16 : f32 to vector<128x8x2048xf32>
    %mul3A_18 = arith.mulf %mul3A_17, %add3A : vector<128x8x2048xf32>
    %tanh3A_19 = math.tanh %mul3A_18 : vector<128x8x2048xf32>
    %mul3A_20 = arith.constant 3.125000e-02 : f32
    %mul3A_21 = vector.broadcast %mul3A_20 : f32 to vector<128x8x2048xf32>
    %mul3A_22 = arith.mulf %mul3A_21, %tanh3A_19 : vector<128x8x2048xf32>
    %add3A_23 = arith.constant 1.031250e+00 : f32
    %add3A_24 = vector.broadcast %add3A_23 : f32 to vector<128x8x2048xf32>
    %add3A_25 = arith.addf %mul3A_22, %add3A_24 : vector<128x8x2048xf32>
    %jit3A = arith.constant 0.000000e+00 : f32
    %broadcast_in_dim3A = vector.broadcast %jit3A : f32 to vector<128x8x2048xf32>
    %select_n3A = arith.select %eq3A_8, %broadcast_in_dim3A, %add3A_25 : vector<128x8x2048xi1>, vector<128x8x2048xf32>
    %reduce_sum3A = arith.constant dense<0.000000e+00> : vector<128x2048xf32>
    %reduce_sum3A_26 = vector.multi_reduction <add>, %select_n3A, %reduce_sum3A [1] : vector<128x8x2048xf32> to vector<128x2048xf32>
    %swap3A = arith.constant 0 : index
    %swap3A_27 = arith.constant 0 : index
    %swap3A_28 = vector.load %arg4[%swap3A, %swap3A_27] : memref<128x2048xf32, #tpu.memory_space<vmem>>, vector<128x2048xf32>
    tpu.vector_store %arg4[%swap3A, %swap3A_27], %reduce_sum3A_26 {strides = array<i32>} : memref<128x2048xf32, #tpu.memory_space<vmem>>, vector<128x2048xf32>,
    %get3A_29 = arith.constant 0 : index
    %get3A_30 = arith.constant 0 : index
    %get3A_31 = vector.load %arg4[%get3A_29, %get3A_30] : memref<128x2048xf32, #tpu.memory_space<vmem>>, vector<128x2048xf32>
    %floor3A = math.floor %get3A_31 : vector<128x2048xf32>
    %sub3A = arith.subf %get3A_31, %floor3A : vector<128x2048xf32>
    %mul3A_32 = arith.constant 1.600000e+01 : f32
    %mul3A_33 = vector.broadcast %mul3A_32 : f32 to vector<128x2048xf32>
    %mul3A_34 = arith.mulf %sub3A, %mul3A_33 : vector<128x2048xf32>
    %gt3A = arith.constant 0.000000e+00 : f32
    %gt3A_35 = vector.broadcast %gt3A : f32 to vector<128x2048xf32>
    %gt3A_36 = arith.cmpf ogt, %floor3A, %gt3A_35 : vector<128x2048xf32>
    %div3A = arith.divf %mul3A_34, %floor3A : vector<128x2048xf32>
    %jit3A_37 = arith.constant 0.000000e+00 : f32
    %broadcast_in_dim3A_38 = vector.broadcast %jit3A_37 : f32 to vector<128x2048xf32>
    %select_n3A_39 = arith.select %gt3A_36, %div3A, %broadcast_in_dim3A_38 : vector<128x2048xi1>, vector<128x2048xf32>
    %swap3A_40 = arith.constant 0 : index
    %swap3A_41 = arith.constant 0 : index
    %swap3A_42 = vector.load %arg3[%swap3A_40, %swap3A_41] : memref<128x2048xf32, #tpu.memory_space<vmem>>, vector<128x2048xf32>
    tpu.vector_store %arg3[%swap3A_40, %swap3A_41], %select_n3A_39 {strides = array<i32>} : memref<128x2048xf32, #tpu.memory_space<vmem>>, vector<128x2048xf32>,
    return
  }
  func.func @transform_0(%arg0: i32) -> (i32, i32, i32) {
    %c0_i32 = arith.constant 0 : i32
    %c0_i32_0 = arith.constant 0 : i32
    %c0_i32_1 = arith.constant 0 : i32
    return %arg0, %c0_i32, %c0_i32_0 : i32, i32, i32
  }
  func.func @transform_1(%arg0: i32) -> (i32, i32, i32) {
    %c0_i32 = arith.constant 0 : i32
    %c0_i32_0 = arith.constant 0 : i32
    %c0_i32_1 = arith.constant 0 : i32
    return %arg0, %c0_i32, %c0_i32_0 : i32, i32, i32
  }
  func.func @transform_2(%arg0: i32) -> (i32, i32) {
    %c0_i32 = arith.constant 0 : i32
    %c0_i32_0 = arith.constant 0 : i32
    return %arg0, %c0_i32 : i32, i32
  }
}

</mosaic_0001>

<sc_bundles>
// kernel: _run.4.cloned.1.call-start
scs
__scs_entry_jumppad:
0x0: {  	(pc) =	sbr.rel $0x88, $3  }
0x1: {  	(tag) =	ssettag $0x0;
	lr =	simm.s32 $0x1  }
0x2: {  	[smem:$0x3F9F] =	sst lr;
	_ =	strace $0xD0000000  }
0x3: {  	_ = 	snop  }
0x4: {  	_ = 	snop  }
0x5: {  	_ = 	snop  }
0x6: {  	_ = 	snop  }
0x7: {  	_ = 	snop  }
__scs_overlays_trampoline_lowered:
0x8: {  	[smem:$0x3FAE] =	sst s0  }
0x9: {  	[smem:$0x3FAF] =	sst s1  }
0xa: {  	[smem:$0x3FB0] =	sst s2  }
0xb: {  	[smem:$0x3FB1] =	sst s3  }
0xc: {  	[smem:$0x3FB2] =	sst s4  }
0xd: {  	[smem:$0x3FB3] =	sst s5  }
0xe: {  	[smem:$0x3FB4] =	sst s6  }
0xf: {  	[smem:$0x3FB5] =	sst s7  }
0x10: {  	[smem:$0x3FB6] =	sst s8  }
0x11: {  	[smem:$0x3FB7] =	sst s9;
	s0 =	simm.s32 @!p0 $0x0  }
0x12: {  	s1 =	sld [smem:$0x3F9D];
	s0 =	simm.s32 @p0 $0x1  }
0x13: {  	[smem:$0x3FB8] =	sst s0;
	s0 =	simm.s32 @!p1 $0x0  }
0x14: {  	s2 =	sld [smem:$0x3F9C];
	s0 =	simm.s32 @p1 $0x1  }
0x15: {  	[smem:$0x3FB9] =	sst s0;
	s0 =	simm.s32 @!p2 $0x0  }
0x16: {  	s3 =	sld [smem:$0x3FDB];
	s0 =	simm.s32 @p2 $0x1  }
0x17: {  	s4 =	simm.s32 $0x1BF5;
	[smem:$0x3FBB] =	sst s0  }
0x18: {  	s0 =	sld [smem:$0x3F9E];
	_ =	swait.ge [sflag:s4], $0x0  }
0x19: {  	s7 =	sld [smem:$0x3F9F]  }
0x1a: {  	s8 =	sadd.s32 $0xFFFFE003, lr  }
0x1b: {  	s9 =	sadd.s32 $0xFFFFFEF7, lr;
	s5 =	simm.s32 $0xFFFFFFFF;
	p2 =	slt.u32 s8, $0xFFFFF086  }
0x1c: {  	p1 =	slt.u32 s9, $0xF7A;
	s5 =	simm.s32 @!p2 $0x0  }
0x1d: {  	s5 =	simm.s32 @p1 $0x1;
	p0 =	seq.s32 s7, s2  }
0x1e: {  	s7 =	smul.u32 @!p0 $0xF7A, s2;
	p2 =	seq.s32 @!p0 s5, $0x0  }
0x1f: {  	s9 =	smul.u32 $0xF7A, s1;
	s8 =	simm.s32 @!p0 $0x1BF5;
	p2 =	por !p2, p0  }
0x20: {  	[sflag:s8] =	ssyncset.s32 @!p0 $0xFFFFF086;
	s6 =	sadd.s32 @!p0 s3, s7;
	s7 =	simm.s32 @!p0 $0x108  }
0x21: {  	s3 =	sadd.s32 s3, s9;
	s6 =	sadd.s32 @!p0 $0x88, s6;
	s7 =	simm.s32 @p2 $0x1082  }
0x22: {  	[simem:s7], [sflag:s8] =	dma.local @!p0 [hbm:s6], $0xF7A  }
0x23: {  	s9 =	sor.u32 $0xD0000000, s2;
	s6 =	simm.s32 $0x108;
	_ =	swait.ge @!p0 [sflag:s8], $0x0  }
0x24: {  	s3 =	sadd.s32 $0x88, s3;
	s6 =	simm.s32 @!p1 $0x1082;
	[sflag:s4] =	ssyncset.s32 $0xFFFFF086  }
0x25: {  	[simem:s6], [sflag:s4] =	dma.local [hbm:s3], $0xF7A  }
0x26: {  	[smem:$0x3F9F] =	sst s1;
	(tag) =	ssettag s2;
	_ =	strace s9  }
0x27: {  	s1 =	sld [smem:$0x3FAF]  }
0x28: {  	s2 =	sld [smem:$0x3FB0]  }
0x29: {  	s4 =	sld [smem:$0x3FB2]  }
0x2a: {  	p0 =	seq.s32 s5, $0x0;
	s5 =	sld [smem:$0x3FB3]  }
0x2b: {  	s6 =	sld [smem:$0x3FB4]  }
0x2c: {  	s7 =	sld [smem:$0x3FB5]  }
0x2d: {  	s3 =	simm.s32 $0x108;
	s8 =	sld [smem:$0x3FB6]  }
0x2e: {  	s3 =	simm.s32 @!p0 $0x1082;
	s9 =	sld [smem:$0x3FB7]  }
0x2f: {  	lr =	sadd.s32 s0, s3;
	s0 =	sld [smem:$0x3FAE]  }
0x30: {  	s3 =	sld [smem:$0x3FB1]  }
0x31: {  	[smem:$0x3FBA] =	sst s10  }
0x32: {  	s10 =	sld [smem:$0x3FB8];
	_ =	sdelay $0x3  }
0x33: {  	p0 =	seq.s32 s10, $0x1;
	s10 =	sld [smem:$0x3FBA];
	_ =	sdelay $0x3  }
0x34: {  	[smem:$0x3FBA] =	sst s10  }
0x35: {  	s10 =	sld [smem:$0x3FB9];
	_ =	sdelay $0x3  }
0x36: {  	p1 =	seq.s32 s10, $0x1;
	s10 =	sld [smem:$0x3FBA];
	_ =	sdelay $0x3  }
0x37: {  	[smem:$0x3FBA] =	sst s10  }
0x38: {  	s10 =	sld [smem:$0x3FBB]  }
0x39: {  	_ = 	snop;
	(pc) =	sbr.ind lr, $3  }
0x3a: {  	_ = 	snop  }
0x3b: {  	_ = 	snop  }
0x3c: {  	p2 =	seq.s32 s10, $0x1;
	s10 =	sld [smem:$0x3FBA]  }
0x3d: {  	_ =	shalt  }
0x3e: {  	_ =	shalt  }
0x3f: {  	_ =	shalt  }
0x40: {  	_ =	shalt  }
0x41: {  	_ =	shalt  }
0x42: {  	_ =	shalt  }
0x43: {  	_ =	shalt  }
0x44: {  	_ =	shalt  }
0x45: {  	_ =	shalt  }
0x46: {  	_ =	shalt  }
0x47: {  	_ =	shalt  }
0x48: {  	_ =	shalt  }
0x49: {  	_ =	shalt  }
0x4a: {  	_ =	shalt  }
0x4b: {  	_ =	shalt  }
0x4c: {  	_ =	shalt  }
0x4d: {  	_ =	shalt  }
0x4e: {  	_ =	shalt  }
0x4f: {  	_ =	shalt  }
0x50: {  	_ =	shalt  }
0x51: {  	_ =	shalt  }
0x52: {  	_ =	shalt  }
0x53: {  	_ =	shalt  }
0x54: {  	_ =	shalt  }
0x55: {  	_ =	shalt  }
0x56: {  	_ =	shalt  }
0x57: {  	_ =	shalt  }
0x58: {  	_ =	shalt  }
0x59: {  	_ =	shalt  }
0x5a: {  	_ =	shalt  }
0x5b: {  	_ =	shalt  }
0x5c: {  	_ =	shalt  }
0x5d: {  	_ =	shalt  }
0x5e: {  	_ =	shalt  }
0x5f: {  	_ =	shalt  }
0x60: {  	_ =	shalt  }
0x61: {  	_ =	shalt  }
0x62: {  	_ =	shalt  }
0x63: {  	_ =	shalt  }
0x64: {  	_ =	shalt  }
0x65: {  	_ =	shalt  }
0x66: {  	_ =	shalt  }
0x67: {  	_ =	shalt  }
0x68: {  	_ =	shalt  }
0x69: {  	_ =	shalt  }
0x6a: {  	_ =	shalt  }
0x6b: {  	_ =	shalt  }
0x6c: {  	_ =	shalt  }
0x6d: {  	_ =	shalt  }
0x6e: {  	_ =	shalt  }
0x6f: {  	_ =	shalt  }
0x70: {  	_ =	shalt  }
0x71: {  	_ =	shalt  }
0x72: {  	_ =	shalt  }
0x73: {  	_ =	shalt  }
0x74: {  	_ =	shalt  }
0x75: {  	_ =	shalt  }
0x76: {  	_ =	shalt  }
0x77: {  	_ =	shalt  }
0x78: {  	_ =	shalt  }
0x79: {  	_ =	shalt  }
0x7a: {  	_ =	shalt  }
0x7b: {  	_ =	shalt  }
0x7c: {  	_ =	shalt  }
0x7d: {  	_ =	shalt  }
0x7e: {  	_ =	shalt  }
0x7f: {  	_ =	shalt  }
0x80: {  	_ =	shalt  }
0x81: {  	_ =	shalt  }
0x82: {  	_ =	shalt  }
0x83: {  	_ =	shalt  }
0x84: {  	_ =	shalt  }
0x85: {  	_ =	shalt  }
0x86: {  	_ =	shalt  }
0x87: {  	_ =	shalt  }
.Lfunc_end0:
.L_simem_size_0:
called_computation_lowered:
.L_overlay_start_0:
0x88: {  	s2 =	sld [smem:$0x3FD9]  }
0x89: {  	s3 =	sld [smem:$0x3FFE];
	_ =	sdelay $0x1  }
0x8a: {  	s1 =	srdreg.scid  }
0x8b: {  	s0 =	sand.u32 $0x1, s1  }
0x8c: {  	s17 =	sshll.u32 s0, $0xA;
	s2 =	sadd.s32 s3, s2  }
0x8d: {  	s2 =	sadd.s32 s2, s17  }
0x8e: {  	[smem:$0x3FC6] =	sst s2  }
0x8f: {  	_ = 	snop  }
0x90: {  	s2 =	sld [smem:$0x3FC9]  }
0x91: {  	s18 =	sld [smem:$0x3FC8];
	(tm) =	ssettm $0x1  }
0x92: {  	s4 =	sld [smem:$0x3FFB];
	_ =	sdelay $0x3  }
0x93: {  	_ =	strace s4  }
0x94: {  	s4 =	sld [smem:$0x3FFC];
	_ =	sdelay $0x3  }
0x95: {  	_ =	strace s4  }
0x96: {  	s4 =	sld [smem:$0x3FFD];
	_ =	sdelay $0x3  }
0x97: {  	_ =	strace s4  }
0x98: {  	_ =	strace $0x8FFFFFFF  }
0x99: {  	s19 =	sld [smem:$0x3FDB];
	_ =	sdelay $0x1  }
0x9a: {  	s5 =	simm.s32 $_scs_section_size  }
0x9b: {  	s6 =	simm.s32 $_size__tile_overlayer_lowered;
	s7 =	simm.s32 $_tile_overlayer_lowered  }
0x9c: {  	s22 =	simm.s32 $0x1BFF;
	s21 =	sshll.u32 s7, $0x1;
	s4 =	sadd.s32 s5, s19  }
0x9d: {  	s8 =	simm.s32 $0x0;
	s20 =	sshll.u32 s6, $0x1;
	s6 =	sadd.s32 s21, s4  }
0x9e: {  	[timem:s8], [sflag:s22] =	dma.local [hbm:s6], s20  }
0x9f: {  	_ =	swait.ge [sflag:s22], s20  }
0xa0: {  	s5 =	ssub.s32 $0x0, s20;
	[sflag:s22] =	ssyncset.done $0x0  }
0xa1: {  	[sflag:s22] =	ssyncadd.s32 s5;
	_ =	sdelay $0x1  }
0xa2: {  	s23 =	simm.s32 $0x1B8B  }
0xa3: {  	_ =	swait.ge [sflag:s23], $0x1  }
0xa4: {  	[sflag:s23] =	ssyncset.done $0x0  }
0xa5: {  	s25 =	simm.s32 $0x1B8E;
	s24 =	sld [smem:$0x3FFE];
	[sflag:s23] =	ssyncadd.s32 $0xFFFFFFFF  }
0xa6: {  	s26 =	simm.s32 $execute0_lowered;
	[smem:$0x3FD2] =	sst s25  }
0xa7: {  	s6 =	sshll.u32 s26, $0x1;
	_ =	strace $0x80000046;
	[dreg:$0x1] =	wrdreg $0xFFFFFFFF  }
0xa8: {  	s28 =	simm.s32 $_size_execute0_lowered;
	s4 =	sadd.s32 s4, s6;
	[dreg:$0x0] =	wrdreg $0x0  }
0xa9: {  	s6 =	sshll.u32 s28, $0x1;
	[dreg:$0x2] =	wrdreg s4  }
0xaa: {  	[dreg:$0x3] =	wrdreg s6  }
0xab: {  	[dreg:$0x4] =	wrdreg $0xC0  }
0xac: {  	_ =	task [dreg:s8], $0x5FFFF  }
0xad: {  	[dreg:$0x1] =	wrdreg $0xFFFFFFFF  }
0xae: {  	[dreg:$0x0] =	wrdreg $0x60  }
0xaf: {  	[dreg:$0x2] =	wrdreg s2  }
0xb0: {  	[dreg:$0x3] =	wrdreg s18  }
0xb1: {  	[dreg:$0x4] =	wrdreg s24  }
0xb2: {  	[dreg:$0x5] =	wrdreg $0x9  }
0xb3: {  	_ =	task.clear_ibuf [dreg:s8], $0x6FFFF;
	_ =	strace $0x90000046  }
0xb4: {  	s29 =	simm.s32 $0x9;
	_ =	strace $0x80000048  }
0xb5: {  	_ =	swait.ge [sflag:s29], $0x1  }
0xb6: {  	[sflag:s29] =	ssyncadd.s32 $0xFFFFFFFF  }
0xb7: {  	_ =	strace $0x90000048  }
0xb8: {  	_ =	sfence  }
0xb9: {  	s30 =	sld [smem:$0x0];
	_ =	sdelay $0x2  }
0xba: {  	s31 =	sshll.u32 s1, $0xD;
	s1 =	sshrl.u32 s1, $0x2  }
0xbb: {  	s3 =	sand.u32 $0x4000, s31;
	s1 =	sadd.s32 s1, s30  }
0xbc: {  	s0 =	sor.u32 s3, s0;
	s1 =	sshll.u32 s1, $0x11  }
0xbd: {  	s0 =	sor.u32 s1, s0  }
0xbe: {  	s0 =	sadd.s32 $0x8F2B, s0  }
0xbf: {  	[sflag:s0] =	ssyncadd.remote.s32 $0x1  }
0xc0: {  	_ =	sfence.sel $0xFFFF  }
0xc1: {  	[dreg:$0x0] =	wrdreg $0xFFFFFFFF;
	(pc) =	sbr.abs _section_cstart, $3  }
0xc2: {  	[dreg:$0x1] =	wrdreg $0xFFFFFFFF  }
0xc3: {  	_ =	task.clear_ibuf [dreg:s8], $0x2FFFF;
	_ =	strace $0x9FFFFFFF  }
0xc4: {  	(tm) =	ssettm $0x7FFFFFFF  }
0xc5: {  	_ =	shalt  }
tec
execute0_lowered:
.L_overlay_start_1:
0x0: {  	(tag) =	ssettag $0x1  }
0x1: {  	s1 =	rddreg [dreg:$0x0]  }
0x2: {  	s3 =	rddreg [dreg:$0x1]  }
0x3: {  	s5 =	rddreg [dreg:$0x2]  }
0x4: {  	s0 =	rddreg [dreg:$0x3]  }
0x5: {  	s4 =	simm.s32 $0x0;
	s2 =	stileid.u32;
	s6 =	srdreg.scid  }
0x6: {  	s10 =	simm.s32 $0x80;
	s11 =	simm.s32 $0x400;
	s12 =	simm.s32 $0x8000  }
0x7: {  	[smem:$0x7FF] =	sst s4;
	s7 =	sshll.u32 s2, $0xB;
	s6 =	sand.u32 $0x1, s6  }
0x8: {  	s9 =	sshll.u32 s2, $0x3;
	_ =	strace $0x80000047;
	s31 =	ssub.s32 $0x2, s6  }
0x9: {  	s7 =	sadd.s32 s7, s5;
	s6 =	sshll.u32 s6, $0x2;
	s8 =	sshrl.u32 s31, $0x1  }
0xa: {  	s5 =	sor.u32 s6, s9;
	s6 =	sadd.s32 $0x400, s7;
	s8 =	ssub.s32 s31, s8  }
0xb: {  	s9 =	simm.s32 $0x4000;
	s7 =	smax.u32 s8, $0x1;
	s8 =	simm.s32 $0x1  }
.LBB2_1:
0xc: {  	s13 =	simm.s32 $0x0  }
.LBB2_2:
0xd: {  	s14 =	sadd.s32 s5, s13  }
0xe: {  	s15 =	sshll.u32 s14, $0xB  }
0xf: {  	s16 =	sadd.s32 $0x3C0000, s15  }
0x10: {  	s15 =	simm.s32 $0x0;
	s17 =	sadd.s32 s1, s16  }
0x11: {  	[tilespmem:s15], [sflag:$0x1] =	stream.linear.gather [hbm4b:s17+s15], $0x4000, $0x38;
	[tilespmem:$0x8800] =	vst v63  }
0x12: {  	_ =	swait.ge [sflag:s8], $0x4000  }
0x13: {  	[sflag:s8] =	ssyncset.done $0x0  }
0x14: {  	s16 =	sadd.s32 s3, s16;
	[sflag:s8] =	ssyncadd.s32 $0xFFFFC000  }
0x15: {  	[tilespmem:s9], [sflag:$0x1] =	stream.linear.gather [hbm4b:s16+s15], $0x4000, $0x38;
	[tilespmem:$0x8800] =	vst v63  }
0x16: {  	_ =	swait.ge [sflag:s8], $0x4000  }
0x17: {  	s18 =	simm.s32 $0x4200;
	[sflag:s8] =	ssyncset.done $0x0  }
0x18: {  	s17 =	simm.s32 $0x200;
	s16 =	simm.s32 $0x8000;
	[sflag:s8] =	ssyncadd.s32 $0xFFFFC000  }
.LBB2_3:
0x19: {  	v2 =	vmov s18;
	_ =	sdelay $0x2  }
0x1a: {  	v1 =	vmov s17  }
0x1b: {  	s19 =	simm.s32 $0x0  }
0x1c: {  	v12 =	vld.idx.msk [tilespmem:v2+s19+$0x100 ss:$0x1], $0xffff  }
0x1d: {  	v3 =	vld.idx.msk [tilespmem:v2+s19+$0xFFFFFF80 ss:$0x1], $0xffff  }
0x1e: {  	v4 =	vld.idx.msk [tilespmem:v2+s19+$0xFFFFFE80 ss:$0x1], $0xffff  }
0x1f: {  	v11 =	vld.idx.msk [tilespmem:v1+s19+$0xFFFFFE80 ss:$0x1], $0xffff  }
0x20: {  	v0 =	vmov s16;
	s20 =	simm.s32 $0x40;
	v5 =	vld.idx.msk [tilespmem:v2+s19+$0xFFFFFE00 ss:$0x1], $0xffff  }
.LBB2_4:
0x21: {  	p0 =	sne.s32 s20, $0x1C0;
	v13 =	vld.idx.msk [tilespmem:v1+s19+$0xFFFFFE00 ss:$0x1], $0xffff  }
0x22: {  	v6 =	vld.idx.msk [tilespmem:v2+s19+$0xFFFFFF00 ss:$0x1], $0xffff  }
0x23: {  	v14 =	vld.idx.msk [tilespmem:v1+s19+$0xFFFFFF00 ss:$0x1], $0xffff  }
0x24: {  	v15 =	vld.idx.msk [tilespmem:v1+s19+$0xFFFFFF80 ss:$0x1], $0xffff  }
0x25: {  	v7 =	vld.idx.msk [tilespmem:v2+s19+$0x0 ss:$0x1], $0xffff  }
0x26: {  	v8 =	vmul.f32 v4, v11;
	v16 =	vld.idx.msk [tilespmem:v1+s19+$0x0 ss:$0x1], $0xffff  }
0x27: {  	v10 =	vmul.f32 v5, v13;
	v17 =	vld.idx.msk [tilespmem:v1+s19+$0x100 ss:$0x1], $0xffff  }
0x28: {  	v4 =	vsub.f32 $0.0e+00, v8;
	v18 =	vld.idx.msk [tilespmem:v2+s19+$0x80 ss:$0x1], $0xffff  }
0x29: {  	v5 =	vsub.f32 $0.0e+00, v10;
	v9 =	vmul.f32 v6, v14;
	v19 =	vld.idx.msk [tilespmem:v1+s19+$0x80 ss:$0x1], $0xffff  }
0x2a: {  	v4 =	vmul.f32 $1.442695020e+00, v4;
	v6 =	vmul.f32 v3, v15;
	v20 =	vld.idx.msk [tilespmem:v2+s19+$0x180 ss:$0x1], $0xffff  }
0x2b: {  	v3 =	vmul.f32 $1.442695020e+00, v5;
	v21 =	vsub.f32 $0.0e+00, v9;
	v22 =	vld.idx.msk [tilespmem:v1+s19+$0x180 ss:$0x1], $0xffff  }
0x2c: {  	v23 =	vsub.f32 $0.0e+00, v6;
	v5 =	vmul.f32 v7, v16;
	(erf) = vpow2.f32 v4  }
0x2d: {  	v4 =	vmul.f32 $1.442695020e+00, v21;
	(erf) = vpow2.f32 v3  }
0x2e: {  	v21 =	vmul.f32 $1.442695020e+00, v23;
	v23 =	vsub.f32 $0.0e+00, v5;
	v3 =	vmul.f32 v12, v17  }
0x2f: {  	v7 =	vmul.f32 v18, v19;
	(erf) = vpow2.f32 v4  }
0x30: {  	v12 =	vmul.f32 $1.442695020e+00, v23;
	(erf) = vpow2.f32 v21  }
0x31: {  	v18 =	vsub.f32 $0.0e+00, v7;
	v4 =	vmul.f32 v20, v22  }
0x32: {  	v20 =	vsub.f32 $0.0e+00, v3;
	(erf) = vpow2.f32 v12  }
0x33: {  	v12 =	vmul.f32 $1.442695020e+00, v18;
	v18 =	vsub.f32 $0.0e+00, v4  }
0x34: {  	v20 =	vmul.f32 $1.442695020e+00, v20  }
0x35: {  	v18 =	vmul.f32 $1.442695020e+00, v18;
	v21 =	vpop (erf);
	(erf) = vpow2.f32 v12  }
0x36: {  	v23 =	vadd.f32 $1.000000000e+00, v21;
	v21 =	vpop (erf);
	(erf) = vpow2.f32 v20  }
0x37: {  	v20 =	vadd.f32 $1.000000000e+00, v21;
	(erf) = vpow2.f32 v18  }
0x38: {  	(erf) = vrcp.f32 v23;
	v12 =	vpop (erf)  }
0x39: {  	v21 =	vadd.f32 $1.000000000e+00, v12;
	(erf) = vrcp.f32 v20;
	v18 =	vpop (erf)  }
0x3a: {  	v18 =	vadd.f32 $1.000000000e+00, v18  }
0x3b: {  	(erf) = vrcp.f32 v21;
	v12 =	vpop (erf)  }
0x3c: {  	v20 =	vadd.f32 $1.000000000e+00, v12;
	(erf) = vrcp.f32 v18;
	_ =	sdelay $0x1  }
0x3d: {  	(erf) = vrcp.f32 v20;
	v12 =	vpop (erf)  }
0x3e: {  	v23 =	vadd.f32 $1.000000000e+00, v12;
	v18 =	vpop (erf)  }
0x3f: {  	v18 =	vadd.f32 $1.000000000e+00, v18;
	v20 =	vpop (erf)  }
0x40: {  	v20 =	vadd.f32 $1.000000000e+00, v20;
	v21 =	vpop (erf);
	(erf) = vrcp.f32 v23  }
0x41: {  	v11 =	vmul.f32 v21, v11;
	v12 =	vpop (erf);
	(erf) = vrcp.f32 v18  }
0x42: {  	v12 =	vmul.f32 v12, v13;
	(erf) = vrcp.f32 v20  }
0x43: {  	v11 =	vsub.f32 $0.0e+00, v11;
	v13 =	vpop (erf)  }
0x44: {  	v12 =	vsub.f32 $0.0e+00, v12;
	v13 =	vmul.f32 v13, v14;
	v14 =	vpop (erf)  }
0x45: {  	v11 =	vmul.f32 $1.442695020e+00, v11;
	v14 =	vmul.f32 v14, v15  }
0x46: {  	v12 =	vmul.f32 $1.442695020e+00, v12;
	v18 =	vsub.f32 $0.0e+00, v13;
	v15 =	vpop (erf)  }
0x47: {  	v14 =	vsub.f32 $0.0e+00, v14;
	v15 =	vmul.f32 v15, v16;
	(erf) = vpow2.f32 v11  }
0x48: {  	v16 =	vmul.f32 $1.442695020e+00, v18;
	(erf) = vpow2.f32 v12  }
0x49: {  	v18 =	vmul.f32 $1.442695020e+00, v14;
	v13 =	vpop (erf)  }
0x4a: {  	v14 =	vsub.f32 $0.0e+00, v15;
	v13 =	vmul.f32 v13, v19;
	(erf) = vpow2.f32 v16;
	v11 =	vpop (erf)  }
0x4b: {  	v11 =	vmul.f32 v11, v17;
	(erf) = vpow2.f32 v18;
	v12 =	vpop (erf)  }
0x4c: {  	v14 =	vmul.f32 $1.442695020e+00, v14;
	v13 =	vsub.f32 $0.0e+00, v13;
	v12 =	vmul.f32 v12, v22  }
0x4d: {  	v11 =	vsub.f32 $0.0e+00, v11  }
0x4e: {  	v13 =	vmul.f32 $1.442695020e+00, v13;
	v12 =	vsub.f32 $0.0e+00, v12;
	(erf) = vpow2.f32 v14  }
0x4f: {  	v11 =	vmul.f32 $1.442695020e+00, v11  }
0x50: {  	v15 =	vmul.f32 $1.442695020e+00, v12;
	v14 =	vpop (erf);
	(erf) = vpow2.f32 v13  }
0x51: {  	v13 =	vadd.f32 $1.000000000e+00, v14;
	v14 =	vpop (erf);
	(erf) = vpow2.f32 v11  }
0x52: {  	v14 =	vadd.f32 $1.000000000e+00, v14;
	(erf) = vpow2.f32 v15  }
0x53: {  	(erf) = vrcp.f32 v13;
	v12 =	vpop (erf)  }
0x54: {  	v12 =	vadd.f32 $1.000000000e+00, v12;
	(erf) = vrcp.f32 v14;
	v11 =	vpop (erf)  }
0x55: {  	v13 =	vadd.f32 $1.000000000e+00, v11  }
0x56: {  	(erf) = vrcp.f32 v12  }
0x57: {  	(erf) = vrcp.f32 v13;
	v11 =	vpop (erf)  }
0x58: {  	v14 =	vadd.f32 $1.000000000e+00, v11  }
0x59: {  	v12 =	vpop (erf)  }
0x5a: {  	v12 =	vadd.f32 $1.000000000e+00, v12;
	(erf) = vrcp.f32 v14;
	v11 =	vpop (erf)  }
0x5b: {  	v11 =	vadd.f32 $1.000000000e+00, v11;
	v13 =	vpop (erf)  }
0x5c: {  	v14 =	vpop (erf);
	(erf) = vrcp.f32 v12  }
0x5d: {  	v12 =	vadd.f32 $1.000000000e+00, v13;
	v13 =	vpop (erf);
	(erf) = vrcp.f32 v11  }
0x5e: {  	v11 =	vmul.f32 $6.250000000e-02, v13;
	v13 =	vmul.f32 $6.250000000e-02, v14  }
0x5f: {  	v14 =	vpop (erf);
	(erf) = vrcp.f32 v12  }
0x60: {  	v11 =	vadd.f32 $1.000000000e+00, v11;
	v12 =	vadd.f32 $1.000000000e+00, v13;
	v13 =	vmul.f32 $6.250000000e-02, v14;
	v14 =	vpop (erf)  }
0x61: {  	vm1 =	veq.f32 v8, $0.0e+00;
	vm0 =	veq.f32 v10, $0.0e+00;
	v8 =	vmul.f32 $6.250000000e-02, v14  }
0x62: {  	v10 =	vsel vm0, $0x0, v11;
	v11 =	vsel vm1, $0x0, v12;
	v12 =	vadd.f32 $1.000000000e+00, v13  }
0x63: {  	vm0 =	veq.f32 v9, $0.0e+00;
	v10 =	vadd.f32 v11, v10;
	v9 =	vpop (erf)  }
0x64: {  	v8 =	vadd.f32 $1.000000000e+00, v8;
	v12 =	vsel vm0, $0x0, v12;
	v9 =	vmul.f32 $6.250000000e-02, v9  }
0x65: {  	vm0 =	veq.f32 v6, $0.0e+00;
	v12 =	vadd.f32 v12, v10;
	v6 =	vpop (erf)  }
0x66: {  	v8 =	vsel vm0, $0x0, v8;
	v9 =	vadd.f32 $1.000000000e+00, v9;
	v6 =	vmul.f32 $6.250000000e-02, v6;
	v11 =	vpop (erf)  }
0x67: {  	vm0 =	veq.f32 v5, $0.0e+00;
	v8 =	vadd.f32 v8, v12  }
0x68: {  	v5 =	vsel vm0, $0x0, v9;
	v6 =	vadd.f32 $1.000000000e+00, v6;
	v9 =	vmul.f32 $6.250000000e-02, v11;
	v10 =	vpop (erf)  }
0x69: {  	vm0 =	veq.f32 v7, $0.0e+00;
	v5 =	vadd.f32 v5, v8  }
0x6a: {  	v8 =	vmul.f32 $6.250000000e-02, v10;
	v6 =	vsel vm0, $0x0, v6;
	v7 =	vadd.f32 $1.000000000e+00, v9  }
0x6b: {  	vm0 =	veq.f32 v3, $0.0e+00;
	v5 =	vadd.f32 v6, v5  }
0x6c: {  	v6 =	vadd.f32 $1.000000000e+00, v8;
	v3 =	vsel vm0, $0x0, v7  }
0x6d: {  	vm0 =	veq.f32 v4, $0.0e+00;
	v3 =	vadd.f32 v3, v5  }
0x6e: {  	v4 =	vsel vm0, $0x0, v6  }
0x6f: {  	v3 =	vadd.f32 v4, v3;
	_ =	sdelay $0x1  }
0x70: {  	v4 =	vtrunc.f32 v3  }
0x71: {  	v4 =	vcvt.f32.s32 v4;
	_ =	sdelay $0x1  }
0x72: {  	v5 =	vcvt.s32.f32 v4;
	_ =	sdelay $0x1  }
0x73: {  	(erf) = vrcp.f32 v5;
	_ =	sdelay $0x5  }
0x74: {  	v3 =	vsub.f32 v3, v5;
	_ =	sdelay $0x1  }
0x75: {  	v3 =	vmul.f32 $1.600000000e+01, v3  }
0x76: {  	v5 =	vpop (erf)  }
0x77: {  	v3 =	vmul.f32 v3, v5  }
0x78: {  	vm0 =	vgt.s32 v4, $0x0  }
0x79: {  	v3 =	vnsel vm0, $0x0, v3  }
0x7a: {  	[tilespmem:v0+s19+$0x0 ss:$0x1] =	vst.idx.msk $0xffff, v3;
	s19 =	sshra.s32 s20, $0x2  }
.Ltmp0:
0x7b: {  	v12 =	vld.idx.msk [tilespmem:v2+s19+$0x100 ss:$0x1], $0xffff;
	(pc) =	sbr.rel @p0 .LBB2_4-.Ltmp0, $4  }
0x7c: {  	v3 =	vld.idx.msk [tilespmem:v2+s19+$0xFFFFFF80 ss:$0x1], $0xffff  }
0x7d: {  	v4 =	vld.idx.msk [tilespmem:v2+s19+$0xFFFFFE80 ss:$0x1], $0xffff  }
0x7e: {  	v11 =	vld.idx.msk [tilespmem:v1+s19+$0xFFFFFE80 ss:$0x1], $0xffff  }
0x7f: {  	s20 =	sadd.s32 $0x40, s20;
	v5 =	vld.idx.msk [tilespmem:v2+s19+$0xFFFFFE00 ss:$0x1], $0xffff  }
0x80: {  	_ =	sdelay $0x3  }
0x81: {  	v9 =	vld.idx.msk [tilespmem:v1+s19+$0xFFFFFE00 ss:$0x1], $0xffff  }
0x82: {  	v7 =	vld.idx.msk [tilespmem:v2+s19+$0xFFFFFF00 ss:$0x1], $0xffff  }
0x83: {  	v10 =	vld.idx.msk [tilespmem:v1+s19+$0xFFFFFF00 ss:$0x1], $0xffff  }
0x84: {  	v13 =	vld.idx.msk [tilespmem:v1+s19+$0xFFFFFF80 ss:$0x1], $0xffff  }
0x85: {  	v14 =	vld.idx.msk [tilespmem:v2+s19+$0x0 ss:$0x1], $0xffff;
	v6 =	vmul.f32 v4, v11  }
0x86: {  	v15 =	vld.idx.msk [tilespmem:v1+s19+$0x0 ss:$0x1], $0xffff;
	v8 =	vmul.f32 v5, v9  }
0x87: {  	v16 =	vld.idx.msk [tilespmem:v1+s19+$0x100 ss:$0x1], $0xffff;
	v4 =	vsub.f32 $0.0e+00, v6  }
0x88: {  	v42 =	vld.idx.msk [tilespmem:v2+s19+$0x80 ss:$0x1], $0xffff;
	v7 =	vmul.f32 v7, v10;
	v17 =	vsub.f32 $0.0e+00, v8  }
0x89: {  	v18 =	vld.idx.msk [tilespmem:v1+s19+$0x80 ss:$0x1], $0xffff;
	v19 =	vmul.f32 $1.442695020e+00, v4;
	v4 =	vmul.f32 v3, v13  }
0x8a: {  	v43 =	vld.idx.msk [tilespmem:v2+s19+$0x180 ss:$0x1], $0xffff;
	v20 =	vsub.f32 $0.0e+00, v7;
	v17 =	vmul.f32 $1.442695020e+00, v17  }
0x8b: {  	v21 =	vld.idx.msk [tilespmem:v1+s19+$0x180 ss:$0x1], $0xffff;
	v3 =	vmul.f32 v14, v15;
	v44 =	vsub.f32 $0.0e+00, v4;
	(erf) = vpow2.f32 v19  }
0x8c: {  	v45 =	vmul.f32 $1.442695020e+00, v20;
	(erf) = vpow2.f32 v17  }
0x8d: {  	v1 =	vmul.f32 v12, v16;
	v47 =	vsub.f32 $0.0e+00, v3;
	v46 =	vmul.f32 $1.442695020e+00, v44  }
0x8e: {  	v5 =	vmul.f32 v42, v18;
	(erf) = vpow2.f32 v45  }
0x8f: {  	v48 =	vmul.f32 $1.442695020e+00, v47;
	(erf) = vpow2.f32 v46  }
0x90: {  	v2 =	vmul.f32 v43, v21;
	v49 =	vsub.f32 $0.0e+00, v5  }
0x91: {  	v50 =	vsub.f32 $0.0e+00, v1;
	(erf) = vpow2.f32 v48  }
0x92: {  	v52 =	vsub.f32 $0.0e+00, v2;
	v51 =	vmul.f32 $1.442695020e+00, v49  }
0x93: {  	v17 =	vmul.f32 $1.442695020e+00, v50  }
0x94: {  	v14 =	vmul.f32 $1.442695020e+00, v52;
	v53 =	vpop (erf);
	(erf) = vpow2.f32 v51  }
0x95: {  	v54 =	vadd.f32 $1.000000000e+00, v53;
	v55 =	vpop (erf);
	(erf) = vpow2.f32 v17  }
0x96: {  	v56 =	vadd.f32 $1.000000000e+00, v55;
	(erf) = vpow2.f32 v14  }
0x97: {  	v57 =	vpop (erf);
	(erf) = vrcp.f32 v54  }
0x98: {  	v12 =	vadd.f32 $1.000000000e+00, v57;
	v58 =	vpop (erf);
	(erf) = vrcp.f32 v56  }
0x99: {  	v14 =	vadd.f32 $1.000000000e+00, v58  }
0x9a: {  	v59 =	vpop (erf);
	(erf) = vrcp.f32 v12  }
0x9b: {  	v12 =	vadd.f32 $1.000000000e+00, v59;
	(erf) = vrcp.f32 v14;
	_ =	sdelay $0x1  }
0x9c: {  	(erf) = vrcp.f32 v12;
	v60 =	vpop (erf)  }
0x9d: {  	v12 =	vadd.f32 $1.000000000e+00, v60;
	v61 =	vpop (erf)  }
0x9e: {  	v14 =	vadd.f32 $1.000000000e+00, v61;
	v62 =	vpop (erf)  }
0x9f: {  	(erf) = vrcp.f32 v12;
	v17 =	vadd.f32 $1.000000000e+00, v62;
	v63 =	vpop (erf)  }
0xa0: {  	v20 =	vmul.f32 v63, v11;
	v22 =	vpop (erf);
	(erf) = vrcp.f32 v14  }
0xa1: {  	v9 =	vmul.f32 v22, v9;
	(erf) = vrcp.f32 v17  }
0xa2: {  	v23 =	vpop (erf);
	v11 =	vsub.f32 $0.0e+00, v20  }
0xa3: {  	v10 =	vmul.f32 v23, v10;
	v24 =	vpop (erf);
	v9 =	vsub.f32 $0.0e+00, v9  }
0xa4: {  	v12 =	vmul.f32 v24, v13;
	v11 =	vmul.f32 $1.442695020e+00, v11  }
0xa5: {  	v25 =	vpop (erf);
	v10 =	vsub.f32 $0.0e+00, v10;
	v9 =	vmul.f32 $1.442695020e+00, v9  }
0xa6: {  	v13 =	vmul.f32 v25, v15;
	v12 =	vsub.f32 $0.0e+00, v12;
	(erf) = vpow2.f32 v11  }
0xa7: {  	v10 =	vmul.f32 $1.442695020e+00, v10;
	(erf) = vpow2.f32 v9  }
0xa8: {  	v26 =	vmul.f32 $1.442695020e+00, v12;
	v27 =	vpop (erf)  }
0xa9: {  	v28 =	vsub.f32 $0.0e+00, v13;
	v11 =	vmul.f32 v27, v18;
	(erf) = vpow2.f32 v10;
	v29 =	vpop (erf)  }
0xaa: {  	(erf) = vpow2.f32 v26;
	v10 =	vmul.f32 v29, v16;
	v30 =	vpop (erf)  }
0xab: {  	v12 =	vmul.f32 $1.442695020e+00, v28;
	v11 =	vsub.f32 $0.0e+00, v11;
	v9 =	vmul.f32 v30, v21  }
0xac: {  	v10 =	vsub.f32 $0.0e+00, v10  }
0xad: {  	(erf) = vpow2.f32 v12;
	v11 =	vmul.f32 $1.442695020e+00, v11;
	v9 =	vsub.f32 $0.0e+00, v9  }
0xae: {  	v10 =	vmul.f32 $1.442695020e+00, v10  }
0xaf: {  	(erf) = vpow2.f32 v11;
	v9 =	vmul.f32 $1.442695020e+00, v9;
	v31 =	vpop (erf)  }
0xb0: {  	v32 =	vadd.f32 $1.000000000e+00, v31;
	v33 =	vpop (erf);
	(erf) = vpow2.f32 v10  }
0xb1: {  	v34 =	vadd.f32 $1.000000000e+00, v33;
	(erf) = vpow2.f32 v9  }
0xb2: {  	v35 =	vpop (erf);
	(erf) = vrcp.f32 v32  }
0xb3: {  	v9 =	vadd.f32 $1.000000000e+00, v35;
	v36 =	vpop (erf);
	(erf) = vrcp.f32 v34  }
0xb4: {  	v10 =	vadd.f32 $1.000000000e+00, v36  }
0xb5: {  	(erf) = vrcp.f32 v9  }
0xb6: {  	v37 =	vpop (erf);
	(erf) = vrcp.f32 v10  }
0xb7: {  	v9 =	vadd.f32 $1.000000000e+00, v37  }
0xb8: {  	v38 =	vpop (erf)  }
0xb9: {  	(erf) = vrcp.f32 v9;
	v10 =	vadd.f32 $1.000000000e+00, v38;
	v39 =	vpop (erf)  }
0xba: {  	v9 =	vadd.f32 $1.000000000e+00, v39;
	v40 =	vpop (erf)  }
0xbb: {  	(erf) = vrcp.f32 v10;
	v41 =	vpop (erf)  }
0xbc: {  	v42 =	vadd.f32 $1.000000000e+00, v40;
	v43 =	vpop (erf);
	(erf) = vrcp.f32 v9  }
0xbd: {  	v45 =	vmul.f32 $6.250000000e-02, v41;
	v44 =	vmul.f32 $6.250000000e-02, v43  }
0xbe: {  	v46 =	vpop (erf);
	(erf) = vrcp.f32 v42  }
0xbf: {  	v47 =	vadd.f32 $1.000000000e+00, v45;
	v48 =	vmul.f32 $6.250000000e-02, v46;
	v49 =	vpop (erf);
	v9 =	vadd.f32 $1.000000000e+00, v44  }
0xc0: {  	vm1 =	veq.f32 v6, $0.0e+00;
	vm0 =	veq.f32 v8, $0.0e+00;
	v50 =	vmul.f32 $6.250000000e-02, v49  }
0xc1: {  	v51 =	vsel vm1, $0x0, v47;
	v52 =	vadd.f32 $1.000000000e+00, v48;
	v8 =	vsel vm0, $0x0, v9  }
0xc2: {  	vm9 =	veq.f32 v7, $0.0e+00;
	v53 =	vpop (erf);
	v8 =	vadd.f32 v51, v8  }
0xc3: {  	v7 =	vmul.f32 $6.250000000e-02, v53;
	v6 =	vadd.f32 $1.000000000e+00, v50;
	v54 =	vsel vm9, $0x0, v52  }
0xc4: {  	vm10 =	veq.f32 v4, $0.0e+00;
	v55 =	vpop (erf);
	v8 =	vadd.f32 v54, v8  }
0xc5: {  	v7 =	vadd.f32 $1.000000000e+00, v7;
	v6 =	vsel vm10, $0x0, v6;
	v4 =	vmul.f32 $6.250000000e-02, v55  }
0xc6: {  	vm11 =	veq.f32 v3, $0.0e+00;
	v56 =	vpop (erf);
	v6 =	vadd.f32 v6, v8  }
0xc7: {  	v3 =	vsel vm11, $0x0, v7;
	v4 =	vadd.f32 $1.000000000e+00, v4;
	v57 =	vmul.f32 $6.250000000e-02, v56  }
0xc8: {  	vm12 =	veq.f32 v5, $0.0e+00;
	v58 =	vpop (erf);
	v3 =	vadd.f32 v3, v6  }
0xc9: {  	v60 =	vmul.f32 $6.250000000e-02, v58;
	v4 =	vsel vm12, $0x0, v4;
	v59 =	vadd.f32 $1.000000000e+00, v57  }
0xca: {  	vm13 =	veq.f32 v1, $0.0e+00;
	v3 =	vadd.f32 v4, v3  }
0xcb: {  	v61 =	vadd.f32 $1.000000000e+00, v60;
	v1 =	vsel vm13, $0x0, v59  }
0xcc: {  	vm14 =	veq.f32 v2, $0.0e+00;
	v1 =	vadd.f32 v1, v3  }
0xcd: {  	v2 =	vsel vm14, $0x0, v61  }
0xce: {  	v1 =	vadd.f32 v2, v1;
	_ =	sdelay $0x1  }
0xcf: {  	v2 =	vtrunc.f32 v1  }
0xd0: {  	v2 =	vcvt.f32.s32 v2;
	_ =	sdelay $0x1  }
0xd1: {  	v62 =	vcvt.s32.f32 v2;
	_ =	sdelay $0x1  }
0xd2: {  	(erf) = vrcp.f32 v62;
	_ =	sdelay $0x5  }
0xd3: {  	v1 =	vsub.f32 v1, v62  }
0xd4: {  	s15 =	sadd.s32 $0x1, s15  }
0xd5: {  	p0 =	sne.s32 s15, $0x10;
	v1 =	vmul.f32 $1.600000000e+01, v1  }
.Ltmp1:
0xd6: {  	v63 =	vpop (erf);
	(pc) =	sbr.rel @p0 .LBB2_3-.Ltmp1, $4  }
0xd7: {  	v1 =	vmul.f32 v1, v63  }
0xd8: {  	vm15 =	vgt.s32 v2, $0x0  }
0xd9: {  	v1 =	vnsel vm15, $0x0, v1  }
0xda: {  	s16 =	sadd.s32 $0x80, s16;
	s17 =	sadd.s32 $0x400, s17;
	s18 =	sadd.s32 $0x400, s18;
	[tilespmem:v0+s19+$0x0 ss:$0x1] =	vst.idx.msk $0xffff, v1  }
0xdb: {  	s14 =	sshll.u32 s14, $0x4;
	s13 =	sadd.s32 $0x1, s13  }
0xdc: {  	s14 =	sand.u32 $0x70, s14;
	p0 =	sne.s32 s13, $0x4  }
.Ltmp2:
0xdd: {  	s14 =	sadd.s32 s14, s6;
	(pc) =	sbr.rel @p0 .LBB2_2-.Ltmp2, $4  }
0xde: {  	[hbm4b:s14+s10] =	stream.strided.scatter [tilespmem:s12], [sflag:$0x1], $0x800, s11, s10, $0x38;
	[tilespmem:$0x8800] =	vst v63  }
0xdf: {  	_ =	swait.ge [sflag:s8], $0x800  }
0xe0: {  	[sflag:s8] =	ssyncset.done $0x0  }
0xe1: {  	[sflag:s8] =	ssyncadd.s32 $0xFFFFF800  }
0xe2: {  	s4 =	sadd.s32 $0x1, s4  }
0xe3: {  	p0 =	sne.s32 s4, s7  }
.Ltmp3:
0xe4: {  	_ = 	snop;
	(pc) =	sbr.rel @p0 .LBB2_1-.Ltmp3, $1  }
0xe5: {  	_ =	sdelay $0x3  }
0xe6: {  	_ =	sfence.sel $0x180000  }
0xe7: {  	[bflag:$0x0] =	sbarrier.arrive $0xFFFF  }
0xe8: {  	p0 =	sne.s32 s2, $0x0;
	_ =	strace $0x90000047  }
0xe9: {  	s0 =	sadd.s32 @!p0 $0x100000, s0;
	[bflag:$0x2] =	sbarrier.arrive $0xFFFF  }
0xea: {  	[sflag:s0] =	ssyncadd.tile.s32 @!p0 $0x1;
	_ =	shalt  }
.Lfunc_end2:
_tile_overlayer_lowered:
.L_overlay_start_2:
0xeb: {  	(tag) =	ssettag $0x2  }
0xec: {  	s0 =	rddreg [dreg:$0x0];
	s2 =	stileid.u32  }
0xed: {  	s1 =	rddreg [dreg:$0x1];
	p0 =	sne.s32 s2, $0x0  }
0xee: {  	s3 =	rddreg [dreg:$0x2];
	[bflag:$0x3] =	sbarrier.arrive $0xFFFF;
	s2 =	simm.s32 @!p0 $0x1C01  }
0xef: {  	[timem:s3], [sflag:s2] =	dma.local @!p0 [hbm:s0], s1  }
0xf0: {  	s0 =	simm.s32 @!p0 $0x1  }
0xf1: {  	_ =	swait.ge @!p0 [sflag:s0], s1  }
0xf2: {  	s1 =	ssub.s32 @!p0 $0x0, s1;
	[sflag:s0] =	ssyncset.done @!p0 $0x0  }
0xf3: {  	[sflag:s0] =	ssyncadd.s32 @!p0 s1  }
0xf4: {  	[bflag:$0x3] =	sbarrier.arrive $0xFFFF  }
0xf5: {  	_ =	shalt  }

</sc_bundles>
